<compile_context>
chip_gen: v7x
topology: tpu7x:2x2x1
jax: 0.10.2.dev20260603
libtpu: 0.0.44.dev20260713+nightly
codegen_flags: <defaults>
</compile_context>

<pallas_src>
import functools

import jax
import jax.numpy as jnp
from jax import lax
from jax.experimental import pallas as pl
from jax.experimental.pallas import tpu as pltpu
from jax.experimental.pallas import tpu_sc as plsc

N_NODES = 10000
N_EDGES = 320000
NODE_DIM = 128
EDGE_DIM = 16
OUT_DIM = 128
Z_DIM = NODE_DIM + EDGE_DIM
HALF = NODE_DIM // 2

NC = 2
NS = 16
NW = NC * NS

CHUNK = 128
NCHUNKS = N_EDGES // CHUNK
K = 158
KLAST = NCHUNKS - (NS - 1) * K
HK = K // 2
N_PAD = 10112
DW = 16
ROWS_PER_TILE = N_PAD // NS


def _sc_scatter_kernel(x2_hbm, eidx_hbm, e_hbm, px_hbm, ped_hbm,
                       src_v, dst_v, r0, r1, e_v, ones_v,
                       acc_x, acc_e, acc_d,
                       gsem0, gsem1, edsem):
  rows0, rows1 = r0, r1
  cid = lax.axis_index("c")
  sid = lax.axis_index("s")

  zero = jnp.zeros((16,), jnp.float32)
  one = jnp.ones((16,), jnp.float32)

  def init_buf(i, carry):
    for l in range(HALF // 16):
      r0[i, pl.ds(l * 16, 16)] = zero
    e_v[i, pl.ds(0, 16)] = zero
    ones_v[i, pl.ds(0, 16)] = one
    return carry

  lax.fori_loop(0, CHUNK, init_buf, 0)

  row0 = sid * ROWS_PER_TILE
  full, rem = divmod(ROWS_PER_TILE, CHUNK)
  for t in range(full):
    pltpu.sync_copy(rows0, acc_x.at[pl.ds(row0 + t * CHUNK, CHUNK)])
    pltpu.sync_copy(e_v, acc_e.at[pl.ds(row0 + t * CHUNK, CHUNK)])
    pltpu.sync_copy(e_v, acc_d.at[pl.ds(row0 + t * CHUNK, CHUNK)])
  if rem:
    pltpu.sync_copy(rows0.at[pl.ds(0, rem)],
                    acc_x.at[pl.ds(row0 + full * CHUNK, rem)])
    pltpu.sync_copy(e_v.at[pl.ds(0, rem)],
                    acc_e.at[pl.ds(row0 + full * CHUNK, rem)])
    pltpu.sync_copy(e_v.at[pl.ds(0, rem)],
                    acc_d.at[pl.ds(row0 + full * CHUNK, rem)])
  plsc.subcore_barrier()

  base = sid * K
  nv = jnp.where(sid == NS - 1, KLAST, K)

  @pl.when(sid < NS - 1)
  def _():
    pltpu.sync_copy(eidx_hbm.at[0, pl.ds(base, K)], src_v)
    pltpu.sync_copy(eidx_hbm.at[1, pl.ds(base, K)], dst_v)

  @pl.when(sid == NS - 1)
  def _():
    pltpu.sync_copy(eidx_hbm.at[0, pl.ds(base, KLAST)],
                    src_v.at[pl.ds(0, KLAST)])
    pltpu.sync_copy(eidx_hbm.at[1, pl.ds(base, KLAST)],
                    dst_v.at[pl.ds(0, KLAST)])

  def to_half_row(t, carry):
    i = t // (CHUNK // 16)
    l = t % (CHUNK // 16)
    v = src_v[i, pl.ds(l * 16, 16)]
    src_v[i, pl.ds(l * 16, 16)] = v + v + cid
    return carry

  lax.fori_loop(0, nv * (CHUNK // 16), to_half_row, 0)

  on_core0 = cid == 0

  def emine_guarded(j, pend):
    mine = jnp.where(on_core0, j < HK, j >= HK)

    @pl.when(mine)
    def _():
      @pl.when(pend > 0)
      def _():
        pltpu.make_async_copy(e_v, acc_e.at[dst_v.at[j]], edsem).wait()
        pltpu.make_async_copy(ones_v, acc_d.at[dst_v.at[j]], edsem).wait()

      pltpu.sync_copy(e_hbm.at[pl.ds((base + j) * CHUNK, CHUNK)], e_v)
      pltpu.async_copy(e_v, acc_e.at[dst_v.at[j]], edsem, add=True)
      pltpu.async_copy(ones_v, acc_d.at[dst_v.at[j]], edsem, add=True)

    return jnp.where(mine, jnp.int32(1), pend)

  def process(j, buf, pend):
    pltpu.sync_copy(buf, acc_x.at[dst_v.at[j]], add=True)
    return emine_guarded(j, pend)

  pltpu.async_copy(x2_hbm.at[src_v.at[0]], rows0, gsem0)

  def body(i, pend):
    g = i * 2
    pltpu.async_copy(x2_hbm.at[src_v.at[g + 1]], rows1, gsem1)
    pltpu.make_async_copy(x2_hbm.at[src_v.at[g]], rows0, gsem0).wait()
    pend = process(g, rows0, pend)

    @pl.when(g + 2 < nv)
    def _():
      pltpu.async_copy(x2_hbm.at[src_v.at[g + 2]], rows0, gsem0)

    pltpu.make_async_copy(x2_hbm.at[src_v.at[g + 1]], rows1, gsem1).wait()
    pend = process(g + 1, rows1, pend)
    return pend

  pend = lax.fori_loop(0, nv // 2, body, jnp.int32(0))

  @pl.when(pend > 0)
  def _():
    pltpu.make_async_copy(e_v, acc_e.at[dst_v.at[0]], edsem).wait()
    pltpu.make_async_copy(ones_v, acc_d.at[dst_v.at[0]], edsem).wait()

  plsc.subcore_barrier()

  pltpu.sync_copy(acc_x.at[pl.ds(row0, ROWS_PER_TILE)],
                  px_hbm.at[pl.ds(row0, ROWS_PER_TILE),
                            pl.ds(cid * HALF, HALF)])
  pltpu.sync_copy(acc_e.at[pl.ds(row0, ROWS_PER_TILE)],
                  ped_hbm.at[pl.ds(row0, ROWS_PER_TILE),
                             pl.ds(cid * EDGE_DIM, EDGE_DIM)])
  pltpu.sync_copy(acc_d.at[pl.ds(row0, ROWS_PER_TILE)],
                  ped_hbm.at[pl.ds(row0, ROWS_PER_TILE),
                             pl.ds(2 * EDGE_DIM + cid * DW, DW)])


@functools.cache
def _sc_scatter():
  return pl.kernel(
      _sc_scatter_kernel,
      out_type=[
          jax.ShapeDtypeStruct((N_PAD, NODE_DIM), jnp.float32),
          jax.ShapeDtypeStruct((N_PAD, NODE_DIM), jnp.float32),
      ],
      mesh=plsc.VectorSubcoreMesh(
          core_axis_name="c", subcore_axis_name="s",
          num_cores=NC, num_subcores=NS),
      scratch_types=[
          pltpu.VMEM((K, CHUNK), jnp.int32),
          pltpu.VMEM((K, CHUNK), jnp.int32),
          pltpu.VMEM((CHUNK, HALF), jnp.float32),
          pltpu.VMEM((CHUNK, HALF), jnp.float32),
          pltpu.VMEM((CHUNK, EDGE_DIM), jnp.float32),
          pltpu.VMEM((CHUNK, DW), jnp.float32),
          pltpu.VMEM_SHARED((N_PAD, HALF), jnp.float32),
          pltpu.VMEM_SHARED((N_PAD, EDGE_DIM), jnp.float32),
          pltpu.VMEM_SHARED((N_PAD, DW), jnp.float32),
      ] + [pltpu.SemaphoreType.DMA] * 3,
      compiler_params=pltpu.CompilerParams(use_tc_tiling_on_sc=False),
  )


def _dense_body(px_ref, ped_ref, x_ref, z0_ref, wpre_ref, bpre_ref,
                wupd_ref, bupd_ref, out_ref):
  sx = px_ref[...]
  ped = ped_ref[...]
  se = ped[:, :EDGE_DIM] + ped[:, EDGE_DIM:2 * EDGE_DIM]
  deg = (ped[:, 2 * EDGE_DIM:2 * EDGE_DIM + 1]
         + ped[:, 3 * EDGE_DIM:3 * EDGE_DIM + 1])
  agg = (
      jnp.dot(sx, wpre_ref[:NODE_DIM, :], preferred_element_type=jnp.float32)
      + jnp.dot(se, wpre_ref[NODE_DIM:, :],
                preferred_element_type=jnp.float32)
      + deg * bpre_ref[0, :][None, :]
  )
  z = jnp.where(deg > 0, jnp.maximum(agg, 0.0), z0_ref[...])
  h = (
      jnp.dot(x_ref[...], wupd_ref[:NODE_DIM, :],
              preferred_element_type=jnp.float32)
      + jnp.dot(z, wupd_ref[NODE_DIM:, :], preferred_element_type=jnp.float32)
      + bupd_ref[0, :][None, :]
  )
  out_ref[...] = jnp.maximum(h, 0.0)


BLK = 1024

_dense = pl.pallas_call(
    _dense_body,
    grid=(pl.cdiv(N_PAD, BLK),),
    in_specs=[
        pl.BlockSpec((BLK, NODE_DIM), lambda i: (i, 0)),
        pl.BlockSpec((BLK, NODE_DIM), lambda i: (i, 0)),
        pl.BlockSpec((BLK, NODE_DIM), lambda i: (i, 0)),
        pl.BlockSpec((BLK, Z_DIM), lambda i: (i, 0)),
        pl.BlockSpec((Z_DIM, Z_DIM), lambda i: (0, 0)),
        pl.BlockSpec((1, Z_DIM), lambda i: (0, 0)),
        pl.BlockSpec((NODE_DIM + Z_DIM, OUT_DIM), lambda i: (0, 0)),
        pl.BlockSpec((1, OUT_DIM), lambda i: (0, 0)),
    ],
    out_specs=pl.BlockSpec((BLK, OUT_DIM), lambda i: (i, 0)),
    out_shape=jax.ShapeDtypeStruct((N_NODES, OUT_DIM), jnp.float32),
)


def kernel(x, edge_attr, edge_index, z_init, W_pre, b_pre, W_upd, b_upd):
  eidx = edge_index.astype(jnp.int32).reshape(2, NCHUNKS, CHUNK)
  x2 = x.reshape(NC * N_NODES, HALF)

  px, ped = _sc_scatter()(x2, eidx, edge_attr)

  h = _dense(px, ped, x, z_init, W_pre, b_pre.reshape(1, -1),
             W_upd, b_upd.reshape(1, -1))
  return h

# --- scband reference (transcript-rebuilt; emitter-appended) ---
"""Pipeline reference for scband-mplayer-42494406427362 (READ-ONLY COPY).

The authoritative reference and input builder live on the scoring server;
editing this copy changes nothing except your own understanding.
"""

import jax, jax.numpy as jnp
import numpy as np

N_NODES = 10000
N_EDGES = 320000
NODE_DIM = 128
EDGE_DIM = 16
OUT_DIM = 128


def setup_inputs(seed: int = 0) -> dict:
    key = jax.random.key(seed)
    k1, k2, k3, k4, k5, k6, k7, k8 = jax.random.split(key, 8)
    x = jax.random.normal(k1, (N_NODES, NODE_DIM), dtype=jnp.float32)
    edge_attr = jax.random.normal(k2, (N_EDGES, EDGE_DIM), dtype=jnp.float32)
    edge_index = jax.random.randint(k3, (2, N_EDGES), 0, N_NODES, dtype=jnp.int64)
    # DGL forward initializes ndata['z'] with torch.rand; nodes with no incoming
    # edges keep this random init.
    z_init = jax.random.uniform(k4, (N_NODES, NODE_DIM + EDGE_DIM), dtype=jnp.float32)
    # pre_layer: FNN(node_dim+edge_dim, [], node_dim+edge_dim) == single Linear
    d_pre = NODE_DIM + EDGE_DIM
    W_pre = jax.random.normal(k5, (d_pre, d_pre), dtype=jnp.float32) / np.sqrt(d_pre)
    b_pre = jnp.zeros((d_pre,), dtype=jnp.float32)
    # update_layer: FNN(2*node_dim+edge_dim, [], out_dim) == single Linear
    d_upd = 2 * NODE_DIM + EDGE_DIM
    W_upd = jax.random.normal(k6, (d_upd, OUT_DIM), dtype=jnp.float32) / np.sqrt(d_upd)
    b_upd = jnp.zeros((OUT_DIM,), dtype=jnp.float32)
    return {
        'x': x,
        'edge_attr': edge_attr,
        'edge_index': edge_index,
        'z_init': z_init,
        'W_pre': W_pre,
        'b_pre': b_pre,
        'W_upd': W_upd,
        'b_upd': b_upd,
    }


def reference(x, edge_attr, edge_index, z_init, W_pre, b_pre, W_upd, b_upd):
    n = x.shape[0]
    src = edge_index[0]
    dst = edge_index[1]
    # msg_func: pre_layer(cat([src_x, edge_x]))
    msg_in = jnp.concatenate([jnp.take(x, src, axis=0), edge_attr], axis=1)
    msg = msg_in @ W_pre + b_pre
    # reduce_func: z = relu(sum over mailbox), only for nodes receiving messages
    agg = jax.ops.segment_sum(msg, dst, num_segments=n)
    deg = jax.ops.segment_sum(jnp.ones((msg.shape[0],), dtype=jnp.float32), dst, num_segments=n)
    z = jnp.where((deg > 0)[:, None], jax.nn.relu(agg), z_init)
    # node_update: h = relu(update_layer(cat([x, z])))
    h_in = jnp.concatenate([x, z], axis=1)
    h = jax.nn.relu(h_in @ W_upd + b_upd)
    return h

if __name__ == "__main__":
    import jax
    _d = setup_inputs()
    print(jax.jit(kernel)(*tuple(_d.values())))

</pallas_src>

<mosaic_0001>
#map = affine_map<(d0, d1) -> (0, 0)>
#map1 = affine_map<(d0, d1) -> (0, 0, 0)>
module attributes {stable_mosaic.version = 14 : i64} {
  func.func @_sc_scatter_kernel(%arg0: i32, %arg1: i32, %arg2: memref<20000x64xf32, #tpu.memory_space<hbm>>, %arg3: memref<2x2500x128xi32, #tpu.memory_space<hbm>>, %arg4: memref<320000x16xf32, #tpu.memory_space<hbm>>, %arg5: memref<10112x128xf32, #tpu.memory_space<hbm>>, %arg6: memref<10112x128xf32, #tpu.memory_space<hbm>>, %arg7: memref<158x128xi32, #tpu.memory_space<vmem>>, %arg8: memref<158x128xi32, #tpu.memory_space<vmem>>, %arg9: memref<128x64xf32, #tpu.memory_space<vmem>>, %arg10: memref<128x64xf32, #tpu.memory_space<vmem>>, %arg11: memref<128x16xf32, #tpu.memory_space<vmem>>, %arg12: memref<128x16xf32, #tpu.memory_space<vmem>>, %arg13: memref<10112x64xf32, #tpu.memory_space<vmem_shared>>, %arg14: memref<10112x16xf32, #tpu.memory_space<vmem_shared>>, %arg15: memref<10112x16xf32, #tpu.memory_space<vmem_shared>>, %arg16: memref<!tpu.dma_semaphore, #tpu.memory_space<semaphore_mem>>, %arg17: memref<!tpu.dma_semaphore, #tpu.memory_space<semaphore_mem>>, %arg18: memref<!tpu.dma_semaphore, #tpu.memory_space<semaphore_mem>>) attributes {dimension_semantics = [#tpu.dimension_semantics<core_parallel>, #tpu.dimension_semantics<subcore_parallel>], iteration_bounds = array<i64: 2, 16>, scalar_prefetch = 0 : i64, scratch_operands = 12 : i64, tpu.core_type = #tpu.core_type<sc_vector_subcore>, window_params = [{transform_indices = #map}, {transform_indices = #map1}, {transform_indices = #map}, {transform_indices = #map}, {transform_indices = #map}]} {
    %broadcast_in_dim3A = arith.constant 0.000000e+00 : f32
    %broadcast_in_dim3A_0 = vector.broadcast %broadcast_in_dim3A : f32 to vector<16xf32>
    %broadcast_in_dim3A_1 = arith.constant 1.000000e+00 : f32
    %broadcast_in_dim3A_2 = vector.broadcast %broadcast_in_dim3A_1 : f32 to vector<16xf32>
    %scan3A = arith.constant 0 : i32
    %scan3A_3 = arith.constant 0 : i32
    %scan3A_4 = arith.constant 128 : i32
    %scan3A_5 = arith.addi %scan3A_3, %scan3A_4 : i32
    %scan3A_6 = arith.constant 1 : i32
    scf.for %scan3A_111 = %scan3A_3 to %scan3A_5 step %scan3A_6  : i32 {
      %swap3A = arith.index_cast %scan3A_111 : i32 to index
      %swap3A_112 = arith.constant 0 : index
      %swap3A_113 = tpu.vector_load %arg9[%swap3A, %swap3A_112] {strides = array<i32>} : memref<128x64xf32, #tpu.memory_space<vmem>>, vector<1x16xf32>,
      %swap3A_114 = vector.shape_cast %swap3A_113 : vector<1x16xf32> to vector<16xf32>
      %swap3A_115 = vector.shape_cast %broadcast_in_dim3A_0 : vector<16xf32> to vector<1x16xf32>
      tpu.vector_store %arg9[%swap3A, %swap3A_112], %swap3A_115 {strides = array<i32>} : memref<128x64xf32, #tpu.memory_space<vmem>>, vector<1x16xf32>,
      %swap3A_116 = arith.index_cast %scan3A_111 : i32 to index
      %swap3A_117 = arith.constant 16 : index
      %swap3A_118 = tpu.vector_load %arg9[%swap3A_116, %swap3A_117] {strides = array<i32>} : memref<128x64xf32, #tpu.memory_space<vmem>>, vector<1x16xf32>,
      %swap3A_119 = vector.shape_cast %swap3A_118 : vector<1x16xf32> to vector<16xf32>
      %swap3A_120 = vector.shape_cast %broadcast_in_dim3A_0 : vector<16xf32> to vector<1x16xf32>
      tpu.vector_store %arg9[%swap3A_116, %swap3A_117], %swap3A_120 {strides = array<i32>} : memref<128x64xf32, #tpu.memory_space<vmem>>, vector<1x16xf32>,
      %swap3A_121 = arith.index_cast %scan3A_111 : i32 to index
      %swap3A_122 = arith.constant 32 : index
      %swap3A_123 = tpu.vector_load %arg9[%swap3A_121, %swap3A_122] {strides = array<i32>} : memref<128x64xf32, #tpu.memory_space<vmem>>, vector<1x16xf32>,
      %swap3A_124 = vector.shape_cast %swap3A_123 : vector<1x16xf32> to vector<16xf32>
      %swap3A_125 = vector.shape_cast %broadcast_in_dim3A_0 : vector<16xf32> to vector<1x16xf32>
      tpu.vector_store %arg9[%swap3A_121, %swap3A_122], %swap3A_125 {strides = array<i32>} : memref<128x64xf32, #tpu.memory_space<vmem>>, vector<1x16xf32>,
      %swap3A_126 = arith.index_cast %scan3A_111 : i32 to index
      %swap3A_127 = arith.constant 48 : index
      %swap3A_128 = tpu.vector_load %arg9[%swap3A_126, %swap3A_127] {strides = array<i32>} : memref<128x64xf32, #tpu.memory_space<vmem>>, vector<1x16xf32>,
      %swap3A_129 = vector.shape_cast %swap3A_128 : vector<1x16xf32> to vector<16xf32>
      %swap3A_130 = vector.shape_cast %broadcast_in_dim3A_0 : vector<16xf32> to vector<1x16xf32>
      tpu.vector_store %arg9[%swap3A_126, %swap3A_127], %swap3A_130 {strides = array<i32>} : memref<128x64xf32, #tpu.memory_space<vmem>>, vector<1x16xf32>,
      %swap3A_131 = arith.index_cast %scan3A_111 : i32 to index
      %swap3A_132 = arith.constant 0 : index
      %swap3A_133 = tpu.vector_load %arg11[%swap3A_131, %swap3A_132] {strides = array<i32>} : memref<128x16xf32, #tpu.memory_space<vmem>>, vector<1x16xf32>,
      %swap3A_134 = vector.shape_cast %swap3A_133 : vector<1x16xf32> to vector<16xf32>
      %swap3A_135 = vector.shape_cast %broadcast_in_dim3A_0 : vector<16xf32> to vector<1x16xf32>
      tpu.vector_store %arg11[%swap3A_131, %swap3A_132], %swap3A_135 {strides = array<i32>} : memref<128x16xf32, #tpu.memory_space<vmem>>, vector<1x16xf32>,
      %swap3A_136 = arith.index_cast %scan3A_111 : i32 to index
      %swap3A_137 = arith.constant 0 : index
      %swap3A_138 = tpu.vector_load %arg12[%swap3A_136, %swap3A_137] {strides = array<i32>} : memref<128x16xf32, #tpu.memory_space<vmem>>, vector<1x16xf32>,
      %swap3A_139 = vector.shape_cast %swap3A_138 : vector<1x16xf32> to vector<16xf32>
      %swap3A_140 = vector.shape_cast %broadcast_in_dim3A_2 : vector<16xf32> to vector<1x16xf32>
      tpu.vector_store %arg12[%swap3A_136, %swap3A_137], %swap3A_140 {strides = array<i32>} : memref<128x16xf32, #tpu.memory_space<vmem>>, vector<1x16xf32>,
    }
    %scan3A_7 = arith.constant 128 : i32
    %mul3A = arith.constant 632 : i32
    %mul3A_8 = arith.muli %arg1, %mul3A : i32
    %add3A = arith.constant 0 : i32
    %add3A_9 = arith.addi %mul3A_8, %add3A : i32
    "tpu.region"() ({
      %run_scoped3A = tpu.sem_alloc : memref<!tpu.dma_semaphore, #tpu.memory_space<semaphore_mem>>
      %dma_start3A_111 = arith.constant 0 : i32
      %dma_start3A_112 = tpu.memref_slice %arg13[%add3A_9, %dma_start3A_111] : memref<10112x64xf32, #tpu.memory_space<vmem_shared>> -> memref<128x64xf32, #tpu.memory_space<vmem_shared>>
      %dma_start3A_113 = arith.constant 0 : i32
      %dma_start3A_114 = tpu.memref_slice %arg13[%add3A_9, %dma_start3A_113] : memref<10112x64xf32, #tpu.memory_space<vmem_shared>> -> memref<128x64xf32, #tpu.memory_space<vmem_shared>>
      tpu.enqueue_dma source(%arg9 : memref<128x64xf32, #tpu.memory_space<vmem>>) target(%dma_start3A_114 : memref<128x64xf32, #tpu.memory_space<vmem_shared>>) target_semaphore(%run_scoped3A : memref<!tpu.dma_semaphore, #tpu.memory_space<semaphore_mem>>)
      %dma_wait3A = arith.constant 0 : i32
      %dma_wait3A_115 = tpu.memref_slice %arg13[%add3A_9, %dma_wait3A] : memref<10112x64xf32, #tpu.memory_space<vmem_shared>> -> memref<128x64xf32, #tpu.memory_space<vmem_shared>>
      %dma_wait3A_116 = arith.constant 0 : i32
      %dma_wait3A_117 = tpu.memref_slice %arg13[%add3A_9, %dma_wait3A_116] : memref<10112x64xf32, #tpu.memory_space<vmem_shared>> -> memref<128x64xf32, #tpu.memory_space<vmem_shared>>
      tpu.wait_dma2 semaphore(%run_scoped3A : memref<!tpu.dma_semaphore, #tpu.memory_space<semaphore_mem>>) src(%arg9 : memref<128x64xf32, #tpu.memory_space<vmem>>) dst(%dma_wait3A_117 : memref<128x64xf32, #tpu.memory_space<vmem_shared>>)
      tpu.yield
    }) : () -> ()
    %add3A_10 = arith.constant 0 : i32
    %add3A_11 = arith.addi %mul3A_8, %add3A_10 : i32
    "tpu.region"() ({
      %run_scoped3A = tpu.sem_alloc : memref<!tpu.dma_semaphore, #tpu.memory_space<semaphore_mem>>
      %dma_start3A_111 = arith.constant 0 : i32
      %dma_start3A_112 = tpu.memref_slice %arg14[%add3A_11, %dma_start3A_111] : memref<10112x16xf32, #tpu.memory_space<vmem_shared>> -> memref<128x16xf32, #tpu.memory_space<vmem_shared>>
      %dma_start3A_113 = arith.constant 0 : i32
      %dma_start3A_114 = tpu.memref_slice %arg14[%add3A_11, %dma_start3A_113] : memref<10112x16xf32, #tpu.memory_space<vmem_shared>> -> memref<128x16xf32, #tpu.memory_space<vmem_shared>>
      tpu.enqueue_dma source(%arg11 : memref<128x16xf32, #tpu.memory_space<vmem>>) target(%dma_start3A_114 : memref<128x16xf32, #tpu.memory_space<vmem_shared>>) target_semaphore(%run_scoped3A : memref<!tpu.dma_semaphore, #tpu.memory_space<semaphore_mem>>)
      %dma_wait3A = arith.constant 0 : i32
      %dma_wait3A_115 = tpu.memref_slice %arg14[%add3A_11, %dma_wait3A] : memref<10112x16xf32, #tpu.memory_space<vmem_shared>> -> memref<128x16xf32, #tpu.memory_space<vmem_shared>>
      %dma_wait3A_116 = arith.constant 0 : i32
      %dma_wait3A_117 = tpu.memref_slice %arg14[%add3A_11, %dma_wait3A_116] : memref<10112x16xf32, #tpu.memory_space<vmem_shared>> -> memref<128x16xf32, #tpu.memory_space<vmem_shared>>
      tpu.wait_dma2 semaphore(%run_scoped3A : memref<!tpu.dma_semaphore, #tpu.memory_space<semaphore_mem>>) src(%arg11 : memref<128x16xf32, #tpu.memory_space<vmem>>) dst(%dma_wait3A_117 : memref<128x16xf32, #tpu.memory_space<vmem_shared>>)
      tpu.yield
    }) : () -> ()
    %add3A_12 = arith.constant 0 : i32
    %add3A_13 = arith.addi %mul3A_8, %add3A_12 : i32
    "tpu.region"() ({
      %run_scoped3A = tpu.sem_alloc : memref<!tpu.dma_semaphore, #tpu.memory_space<semaphore_mem>>
      %dma_start3A_111 = arith.constant 0 : i32
      %dma_start3A_112 = tpu.memref_slice %arg15[%add3A_13, %dma_start3A_111] : memref<10112x16xf32, #tpu.memory_space<vmem_shared>> -> memref<128x16xf32, #tpu.memory_space<vmem_shared>>
      %dma_start3A_113 = arith.constant 0 : i32
      %dma_start3A_114 = tpu.memref_slice %arg15[%add3A_13, %dma_start3A_113] : memref<10112x16xf32, #tpu.memory_space<vmem_shared>> -> memref<128x16xf32, #tpu.memory_space<vmem_shared>>
      tpu.enqueue_dma source(%arg11 : memref<128x16xf32, #tpu.memory_space<vmem>>) target(%dma_start3A_114 : memref<128x16xf32, #tpu.memory_space<vmem_shared>>) target_semaphore(%run_scoped3A : memref<!tpu.dma_semaphore, #tpu.memory_space<semaphore_mem>>)
      %dma_wait3A = arith.constant 0 : i32
      %dma_wait3A_115 = tpu.memref_slice %arg15[%add3A_13, %dma_wait3A] : memref<10112x16xf32, #tpu.memory_space<vmem_shared>> -> memref<128x16xf32, #tpu.memory_space<vmem_shared>>
      %dma_wait3A_116 = arith.constant 0 : i32
      %dma_wait3A_117 = tpu.memref_slice %arg15[%add3A_13, %dma_wait3A_116] : memref<10112x16xf32, #tpu.memory_space<vmem_shared>> -> memref<128x16xf32, #tpu.memory_space<vmem_shared>>
      tpu.wait_dma2 semaphore(%run_scoped3A : memref<!tpu.dma_semaphore, #tpu.memory_space<semaphore_mem>>) src(%arg11 : memref<128x16xf32, #tpu.memory_space<vmem>>) dst(%dma_wait3A_117 : memref<128x16xf32, #tpu.memory_space<vmem_shared>>)
      tpu.yield
    }) : () -> ()
    %add3A_14 = arith.constant 128 : i32
    %add3A_15 = arith.addi %mul3A_8, %add3A_14 : i32
    "tpu.region"() ({
      %run_scoped3A = tpu.sem_alloc : memref<!tpu.dma_semaphore, #tpu.memory_space<semaphore_mem>>
      %dma_start3A_111 = arith.constant 0 : i32
      %dma_start3A_112 = tpu.memref_slice %arg13[%add3A_15, %dma_start3A_111] : memref<10112x64xf32, #tpu.memory_space<vmem_shared>> -> memref<128x64xf32, #tpu.memory_space<vmem_shared>>
      %dma_start3A_113 = arith.constant 0 : i32
      %dma_start3A_114 = tpu.memref_slice %arg13[%add3A_15, %dma_start3A_113] : memref<10112x64xf32, #tpu.memory_space<vmem_shared>> -> memref<128x64xf32, #tpu.memory_space<vmem_shared>>
      tpu.enqueue_dma source(%arg9 : memref<128x64xf32, #tpu.memory_space<vmem>>) target(%dma_start3A_114 : memref<128x64xf32, #tpu.memory_space<vmem_shared>>) target_semaphore(%run_scoped3A : memref<!tpu.dma_semaphore, #tpu.memory_space<semaphore_mem>>)
      %dma_wait3A = arith.constant 0 : i32
      %dma_wait3A_115 = tpu.memref_slice %arg13[%add3A_15, %dma_wait3A] : memref<10112x64xf32, #tpu.memory_space<vmem_shared>> -> memref<128x64xf32, #tpu.memory_space<vmem_shared>>
      %dma_wait3A_116 = arith.constant 0 : i32
      %dma_wait3A_117 = tpu.memref_slice %arg13[%add3A_15, %dma_wait3A_116] : memref<10112x64xf32, #tpu.memory_space<vmem_shared>> -> memref<128x64xf32, #tpu.memory_space<vmem_shared>>
      tpu.wait_dma2 semaphore(%run_scoped3A : memref<!tpu.dma_semaphore, #tpu.memory_space<semaphore_mem>>) src(%arg9 : memref<128x64xf32, #tpu.memory_space<vmem>>) dst(%dma_wait3A_117 : memref<128x64xf32, #tpu.memory_space<vmem_shared>>)
      tpu.yield
    }) : () -> ()
    %add3A_16 = arith.constant 128 : i32
    %add3A_17 = arith.addi %mul3A_8, %add3A_16 : i32
    "tpu.region"() ({
      %run_scoped3A = tpu.sem_alloc : memref<!tpu.dma_semaphore, #tpu.memory_space<semaphore_mem>>
      %dma_start3A_111 = arith.constant 0 : i32
      %dma_start3A_112 = tpu.memref_slice %arg14[%add3A_17, %dma_start3A_111] : memref<10112x16xf32, #tpu.memory_space<vmem_shared>> -> memref<128x16xf32, #tpu.memory_space<vmem_shared>>
      %dma_start3A_113 = arith.constant 0 : i32
      %dma_start3A_114 = tpu.memref_slice %arg14[%add3A_17, %dma_start3A_113] : memref<10112x16xf32, #tpu.memory_space<vmem_shared>> -> memref<128x16xf32, #tpu.memory_space<vmem_shared>>
      tpu.enqueue_dma source(%arg11 : memref<128x16xf32, #tpu.memory_space<vmem>>) target(%dma_start3A_114 : memref<128x16xf32, #tpu.memory_space<vmem_shared>>) target_semaphore(%run_scoped3A : memref<!tpu.dma_semaphore, #tpu.memory_space<semaphore_mem>>)
      %dma_wait3A = arith.constant 0 : i32
      %dma_wait3A_115 = tpu.memref_slice %arg14[%add3A_17, %dma_wait3A] : memref<10112x16xf32, #tpu.memory_space<vmem_shared>> -> memref<128x16xf32, #tpu.memory_space<vmem_shared>>
      %dma_wait3A_116 = arith.constant 0 : i32
      %dma_wait3A_117 = tpu.memref_slice %arg14[%add3A_17, %dma_wait3A_116] : memref<10112x16xf32, #tpu.memory_space<vmem_shared>> -> memref<128x16xf32, #tpu.memory_space<vmem_shared>>
      tpu.wait_dma2 semaphore(%run_scoped3A : memref<!tpu.dma_semaphore, #tpu.memory_space<semaphore_mem>>) src(%arg11 : memref<128x16xf32, #tpu.memory_space<vmem>>) dst(%dma_wait3A_117 : memref<128x16xf32, #tpu.memory_space<vmem_shared>>)
      tpu.yield
    }) : () -> ()
    %add3A_18 = arith.constant 128 : i32
    %add3A_19 = arith.addi %mul3A_8, %add3A_18 : i32
    "tpu.region"() ({
      %run_scoped3A = tpu.sem_alloc : memref<!tpu.dma_semaphore, #tpu.memory_space<semaphore_mem>>
      %dma_start3A_111 = arith.constant 0 : i32
      %dma_start3A_112 = tpu.memref_slice %arg15[%add3A_19, %dma_start3A_111] : memref<10112x16xf32, #tpu.memory_space<vmem_shared>> -> memref<128x16xf32, #tpu.memory_space<vmem_shared>>
      %dma_start3A_113 = arith.constant 0 : i32
      %dma_start3A_114 = tpu.memref_slice %arg15[%add3A_19, %dma_start3A_113] : memref<10112x16xf32, #tpu.memory_space<vmem_shared>> -> memref<128x16xf32, #tpu.memory_space<vmem_shared>>
      tpu.enqueue_dma source(%arg11 : memref<128x16xf32, #tpu.memory_space<vmem>>) target(%dma_start3A_114 : memref<128x16xf32, #tpu.memory_space<vmem_shared>>) target_semaphore(%run_scoped3A : memref<!tpu.dma_semaphore, #tpu.memory_space<semaphore_mem>>)
      %dma_wait3A = arith.constant 0 : i32
      %dma_wait3A_115 = tpu.memref_slice %arg15[%add3A_19, %dma_wait3A] : memref<10112x16xf32, #tpu.memory_space<vmem_shared>> -> memref<128x16xf32, #tpu.memory_space<vmem_shared>>
      %dma_wait3A_116 = arith.constant 0 : i32
      %dma_wait3A_117 = tpu.memref_slice %arg15[%add3A_19, %dma_wait3A_116] : memref<10112x16xf32, #tpu.memory_space<vmem_shared>> -> memref<128x16xf32, #tpu.memory_space<vmem_shared>>
      tpu.wait_dma2 semaphore(%run_scoped3A : memref<!tpu.dma_semaphore, #tpu.memory_space<semaphore_mem>>) src(%arg11 : memref<128x16xf32, #tpu.memory_space<vmem>>) dst(%dma_wait3A_117 : memref<128x16xf32, #tpu.memory_space<vmem_shared>>)
      tpu.yield
    }) : () -> ()
    %add3A_20 = arith.constant 256 : i32
    %add3A_21 = arith.addi %mul3A_8, %add3A_20 : i32
    "tpu.region"() ({
      %run_scoped3A = tpu.sem_alloc : memref<!tpu.dma_semaphore, #tpu.memory_space<semaphore_mem>>
      %dma_start3A_111 = arith.constant 0 : i32
      %dma_start3A_112 = tpu.memref_slice %arg13[%add3A_21, %dma_start3A_111] : memref<10112x64xf32, #tpu.memory_space<vmem_shared>> -> memref<128x64xf32, #tpu.memory_space<vmem_shared>>
      %dma_start3A_113 = arith.constant 0 : i32
      %dma_start3A_114 = tpu.memref_slice %arg13[%add3A_21, %dma_start3A_113] : memref<10112x64xf32, #tpu.memory_space<vmem_shared>> -> memref<128x64xf32, #tpu.memory_space<vmem_shared>>
      tpu.enqueue_dma source(%arg9 : memref<128x64xf32, #tpu.memory_space<vmem>>) target(%dma_start3A_114 : memref<128x64xf32, #tpu.memory_space<vmem_shared>>) target_semaphore(%run_scoped3A : memref<!tpu.dma_semaphore, #tpu.memory_space<semaphore_mem>>)
      %dma_wait3A = arith.constant 0 : i32
      %dma_wait3A_115 = tpu.memref_slice %arg13[%add3A_21, %dma_wait3A] : memref<10112x64xf32, #tpu.memory_space<vmem_shared>> -> memref<128x64xf32, #tpu.memory_space<vmem_shared>>
      %dma_wait3A_116 = arith.constant 0 : i32
      %dma_wait3A_117 = tpu.memref_slice %arg13[%add3A_21, %dma_wait3A_116] : memref<10112x64xf32, #tpu.memory_space<vmem_shared>> -> memref<128x64xf32, #tpu.memory_space<vmem_shared>>
      tpu.wait_dma2 semaphore(%run_scoped3A : memref<!tpu.dma_semaphore, #tpu.memory_space<semaphore_mem>>) src(%arg9 : memref<128x64xf32, #tpu.memory_space<vmem>>) dst(%dma_wait3A_117 : memref<128x64xf32, #tpu.memory_space<vmem_shared>>)
      tpu.yield
    }) : () -> ()
    %add3A_22 = arith.constant 256 : i32
    %add3A_23 = arith.addi %mul3A_8, %add3A_22 : i32
    "tpu.region"() ({
      %run_scoped3A = tpu.sem_alloc : memref<!tpu.dma_semaphore, #tpu.memory_space<semaphore_mem>>
      %dma_start3A_111 = arith.constant 0 : i32
      %dma_start3A_112 = tpu.memref_slice %arg14[%add3A_23, %dma_start3A_111] : memref<10112x16xf32, #tpu.memory_space<vmem_shared>> -> memref<128x16xf32, #tpu.memory_space<vmem_shared>>
      %dma_start3A_113 = arith.constant 0 : i32
      %dma_start3A_114 = tpu.memref_slice %arg14[%add3A_23, %dma_start3A_113] : memref<10112x16xf32, #tpu.memory_space<vmem_shared>> -> memref<128x16xf32, #tpu.memory_space<vmem_shared>>
      tpu.enqueue_dma source(%arg11 : memref<128x16xf32, #tpu.memory_space<vmem>>) target(%dma_start3A_114 : memref<128x16xf32, #tpu.memory_space<vmem_shared>>) target_semaphore(%run_scoped3A : memref<!tpu.dma_semaphore, #tpu.memory_space<semaphore_mem>>)
      %dma_wait3A = arith.constant 0 : i32
      %dma_wait3A_115 = tpu.memref_slice %arg14[%add3A_23, %dma_wait3A] : memref<10112x16xf32, #tpu.memory_space<vmem_shared>> -> memref<128x16xf32, #tpu.memory_space<vmem_shared>>
      %dma_wait3A_116 = arith.constant 0 : i32
      %dma_wait3A_117 = tpu.memref_slice %arg14[%add3A_23, %dma_wait3A_116] : memref<10112x16xf32, #tpu.memory_space<vmem_shared>> -> memref<128x16xf32, #tpu.memory_space<vmem_shared>>
      tpu.wait_dma2 semaphore(%run_scoped3A : memref<!tpu.dma_semaphore, #tpu.memory_space<semaphore_mem>>) src(%arg11 : memref<128x16xf32, #tpu.memory_space<vmem>>) dst(%dma_wait3A_117 : memref<128x16xf32, #tpu.memory_space<vmem_shared>>)
      tpu.yield
    }) : () -> ()
    %add3A_24 = arith.constant 256 : i32
    %add3A_25 = arith.addi %mul3A_8, %add3A_24 : i32
    "tpu.region"() ({
      %run_scoped3A = tpu.sem_alloc : memref<!tpu.dma_semaphore, #tpu.memory_space<semaphore_mem>>
      %dma_start3A_111 = arith.constant 0 : i32
      %dma_start3A_112 = tpu.memref_slice %arg15[%add3A_25, %dma_start3A_111] : memref<10112x16xf32, #tpu.memory_space<vmem_shared>> -> memref<128x16xf32, #tpu.memory_space<vmem_shared>>
      %dma_start3A_113 = arith.constant 0 : i32
      %dma_start3A_114 = tpu.memref_slice %arg15[%add3A_25, %dma_start3A_113] : memref<10112x16xf32, #tpu.memory_space<vmem_shared>> -> memref<128x16xf32, #tpu.memory_space<vmem_shared>>
      tpu.enqueue_dma source(%arg11 : memref<128x16xf32, #tpu.memory_space<vmem>>) target(%dma_start3A_114 : memref<128x16xf32, #tpu.memory_space<vmem_shared>>) target_semaphore(%run_scoped3A : memref<!tpu.dma_semaphore, #tpu.memory_space<semaphore_mem>>)
      %dma_wait3A = arith.constant 0 : i32
      %dma_wait3A_115 = tpu.memref_slice %arg15[%add3A_25, %dma_wait3A] : memref<10112x16xf32, #tpu.memory_space<vmem_shared>> -> memref<128x16xf32, #tpu.memory_space<vmem_shared>>
      %dma_wait3A_116 = arith.constant 0 : i32
      %dma_wait3A_117 = tpu.memref_slice %arg15[%add3A_25, %dma_wait3A_116] : memref<10112x16xf32, #tpu.memory_space<vmem_shared>> -> memref<128x16xf32, #tpu.memory_space<vmem_shared>>
      tpu.wait_dma2 semaphore(%run_scoped3A : memref<!tpu.dma_semaphore, #tpu.memory_space<semaphore_mem>>) src(%arg11 : memref<128x16xf32, #tpu.memory_space<vmem>>) dst(%dma_wait3A_117 : memref<128x16xf32, #tpu.memory_space<vmem_shared>>)
      tpu.yield
    }) : () -> ()
    %add3A_26 = arith.constant 384 : i32
    %add3A_27 = arith.addi %mul3A_8, %add3A_26 : i32
    "tpu.region"() ({
      %run_scoped3A = tpu.sem_alloc : memref<!tpu.dma_semaphore, #tpu.memory_space<semaphore_mem>>
      %dma_start3A_111 = arith.constant 0 : i32
      %dma_start3A_112 = tpu.memref_slice %arg13[%add3A_27, %dma_start3A_111] : memref<10112x64xf32, #tpu.memory_space<vmem_shared>> -> memref<128x64xf32, #tpu.memory_space<vmem_shared>>
      %dma_start3A_113 = arith.constant 0 : i32
      %dma_start3A_114 = tpu.memref_slice %arg13[%add3A_27, %dma_start3A_113] : memref<10112x64xf32, #tpu.memory_space<vmem_shared>> -> memref<128x64xf32, #tpu.memory_space<vmem_shared>>
      tpu.enqueue_dma source(%arg9 : memref<128x64xf32, #tpu.memory_space<vmem>>) target(%dma_start3A_114 : memref<128x64xf32, #tpu.memory_space<vmem_shared>>) target_semaphore(%run_scoped3A : memref<!tpu.dma_semaphore, #tpu.memory_space<semaphore_mem>>)
      %dma_wait3A = arith.constant 0 : i32
      %dma_wait3A_115 = tpu.memref_slice %arg13[%add3A_27, %dma_wait3A] : memref<10112x64xf32, #tpu.memory_space<vmem_shared>> -> memref<128x64xf32, #tpu.memory_space<vmem_shared>>
      %dma_wait3A_116 = arith.constant 0 : i32
      %dma_wait3A_117 = tpu.memref_slice %arg13[%add3A_27, %dma_wait3A_116] : memref<10112x64xf32, #tpu.memory_space<vmem_shared>> -> memref<128x64xf32, #tpu.memory_space<vmem_shared>>
      tpu.wait_dma2 semaphore(%run_scoped3A : memref<!tpu.dma_semaphore, #tpu.memory_space<semaphore_mem>>) src(%arg9 : memref<128x64xf32, #tpu.memory_space<vmem>>) dst(%dma_wait3A_117 : memref<128x64xf32, #tpu.memory_space<vmem_shared>>)
      tpu.yield
    }) : () -> ()
    %add3A_28 = arith.constant 384 : i32
    %add3A_29 = arith.addi %mul3A_8, %add3A_28 : i32
    "tpu.region"() ({
      %run_scoped3A = tpu.sem_alloc : memref<!tpu.dma_semaphore, #tpu.memory_space<semaphore_mem>>
      %dma_start3A_111 = arith.constant 0 : i32
      %dma_start3A_112 = tpu.memref_slice %arg14[%add3A_29, %dma_start3A_111] : memref<10112x16xf32, #tpu.memory_space<vmem_shared>> -> memref<128x16xf32, #tpu.memory_space<vmem_shared>>
      %dma_start3A_113 = arith.constant 0 : i32
      %dma_start3A_114 = tpu.memref_slice %arg14[%add3A_29, %dma_start3A_113] : memref<10112x16xf32, #tpu.memory_space<vmem_shared>> -> memref<128x16xf32, #tpu.memory_space<vmem_shared>>
      tpu.enqueue_dma source(%arg11 : memref<128x16xf32, #tpu.memory_space<vmem>>) target(%dma_start3A_114 : memref<128x16xf32, #tpu.memory_space<vmem_shared>>) target_semaphore(%run_scoped3A : memref<!tpu.dma_semaphore, #tpu.memory_space<semaphore_mem>>)
      %dma_wait3A = arith.constant 0 : i32
      %dma_wait3A_115 = tpu.memref_slice %arg14[%add3A_29, %dma_wait3A] : memref<10112x16xf32, #tpu.memory_space<vmem_shared>> -> memref<128x16xf32, #tpu.memory_space<vmem_shared>>
      %dma_wait3A_116 = arith.constant 0 : i32
      %dma_wait3A_117 = tpu.memref_slice %arg14[%add3A_29, %dma_wait3A_116] : memref<10112x16xf32, #tpu.memory_space<vmem_shared>> -> memref<128x16xf32, #tpu.memory_space<vmem_shared>>
      tpu.wait_dma2 semaphore(%run_scoped3A : memref<!tpu.dma_semaphore, #tpu.memory_space<semaphore_mem>>) src(%arg11 : memref<128x16xf32, #tpu.memory_space<vmem>>) dst(%dma_wait3A_117 : memref<128x16xf32, #tpu.memory_space<vmem_shared>>)
      tpu.yield
    }) : () -> ()
    %add3A_30 = arith.constant 384 : i32
    %add3A_31 = arith.addi %mul3A_8, %add3A_30 : i32
    "tpu.region"() ({
      %run_scoped3A = tpu.sem_alloc : memref<!tpu.dma_semaphore, #tpu.memory_space<semaphore_mem>>
      %dma_start3A_111 = arith.constant 0 : i32
      %dma_start3A_112 = tpu.memref_slice %arg15[%add3A_31, %dma_start3A_111] : memref<10112x16xf32, #tpu.memory_space<vmem_shared>> -> memref<128x16xf32, #tpu.memory_space<vmem_shared>>
      %dma_start3A_113 = arith.constant 0 : i32
      %dma_start3A_114 = tpu.memref_slice %arg15[%add3A_31, %dma_start3A_113] : memref<10112x16xf32, #tpu.memory_space<vmem_shared>> -> memref<128x16xf32, #tpu.memory_space<vmem_shared>>
      tpu.enqueue_dma source(%arg11 : memref<128x16xf32, #tpu.memory_space<vmem>>) target(%dma_start3A_114 : memref<128x16xf32, #tpu.memory_space<vmem_shared>>) target_semaphore(%run_scoped3A : memref<!tpu.dma_semaphore, #tpu.memory_space<semaphore_mem>>)
      %dma_wait3A = arith.constant 0 : i32
      %dma_wait3A_115 = tpu.memref_slice %arg15[%add3A_31, %dma_wait3A] : memref<10112x16xf32, #tpu.memory_space<vmem_shared>> -> memref<128x16xf32, #tpu.memory_space<vmem_shared>>
      %dma_wait3A_116 = arith.constant 0 : i32
      %dma_wait3A_117 = tpu.memref_slice %arg15[%add3A_31, %dma_wait3A_116] : memref<10112x16xf32, #tpu.memory_space<vmem_shared>> -> memref<128x16xf32, #tpu.memory_space<vmem_shared>>
      tpu.wait_dma2 semaphore(%run_scoped3A : memref<!tpu.dma_semaphore, #tpu.memory_space<semaphore_mem>>) src(%arg11 : memref<128x16xf32, #tpu.memory_space<vmem>>) dst(%dma_wait3A_117 : memref<128x16xf32, #tpu.memory_space<vmem_shared>>)
      tpu.yield
    }) : () -> ()
    %add3A_32 = arith.constant 512 : i32
    %add3A_33 = arith.addi %mul3A_8, %add3A_32 : i32
    "tpu.region"() ({
      %run_scoped3A = tpu.sem_alloc : memref<!tpu.dma_semaphore, #tpu.memory_space<semaphore_mem>>
      %dma_start3A_111 = arith.constant 0 : i32
      %dma_start3A_112 = arith.constant 0 : i32
      %dma_start3A_113 = tpu.memref_slice %arg9[%dma_start3A_111, %dma_start3A_112] : memref<128x64xf32, #tpu.memory_space<vmem>> -> memref<120x64xf32, #tpu.memory_space<vmem>>
      %dma_start3A_114 = arith.constant 0 : i32
      %dma_start3A_115 = tpu.memref_slice %arg13[%add3A_33, %dma_start3A_114] : memref<10112x64xf32, #tpu.memory_space<vmem_shared>> -> memref<120x64xf32, #tpu.memory_space<vmem_shared>>
      %dma_start3A_116 = arith.constant 0 : i32
      %dma_start3A_117 = tpu.memref_slice %arg13[%add3A_33, %dma_start3A_116] : memref<10112x64xf32, #tpu.memory_space<vmem_shared>> -> memref<120x64xf32, #tpu.memory_space<vmem_shared>>
      %dma_start3A_118 = arith.constant 0 : i32
      %dma_start3A_119 = arith.constant 0 : i32
      %dma_start3A_120 = tpu.memref_slice %arg9[%dma_start3A_118, %dma_start3A_119] : memref<128x64xf32, #tpu.memory_space<vmem>> -> memref<120x64xf32, #tpu.memory_space<vmem>>
      tpu.enqueue_dma source(%dma_start3A_120 : memref<120x64xf32, #tpu.memory_space<vmem>>) target(%dma_start3A_117 : memref<120x64xf32, #tpu.memory_space<vmem_shared>>) target_semaphore(%run_scoped3A : memref<!tpu.dma_semaphore, #tpu.memory_space<semaphore_mem>>)
      %dma_wait3A = arith.constant 0 : i32
      %dma_wait3A_121 = arith.constant 0 : i32
      %dma_wait3A_122 = tpu.memref_slice %arg9[%dma_wait3A, %dma_wait3A_121] : memref<128x64xf32, #tpu.memory_space<vmem>> -> memref<120x64xf32, #tpu.memory_space<vmem>>
      %dma_wait3A_123 = arith.constant 0 : i32
      %dma_wait3A_124 = tpu.memref_slice %arg13[%add3A_33, %dma_wait3A_123] : memref<10112x64xf32, #tpu.memory_space<vmem_shared>> -> memref<120x64xf32, #tpu.memory_space<vmem_shared>>
      %dma_wait3A_125 = arith.constant 0 : i32
      %dma_wait3A_126 = tpu.memref_slice %arg13[%add3A_33, %dma_wait3A_125] : memref<10112x64xf32, #tpu.memory_space<vmem_shared>> -> memref<120x64xf32, #tpu.memory_space<vmem_shared>>
      %dma_wait3A_127 = arith.constant 0 : i32
      %dma_wait3A_128 = arith.constant 0 : i32
      %dma_wait3A_129 = tpu.memref_slice %arg9[%dma_wait3A_127, %dma_wait3A_128] : memref<128x64xf32, #tpu.memory_space<vmem>> -> memref<120x64xf32, #tpu.memory_space<vmem>>
      tpu.wait_dma2 semaphore(%run_scoped3A : memref<!tpu.dma_semaphore, #tpu.memory_space<semaphore_mem>>) src(%dma_wait3A_129 : memref<120x64xf32, #tpu.memory_space<vmem>>) dst(%dma_wait3A_126 : memref<120x64xf32, #tpu.memory_space<vmem_shared>>)
      tpu.yield
    }) : () -> ()
    %add3A_34 = arith.constant 512 : i32
    %add3A_35 = arith.addi %mul3A_8, %add3A_34 : i32
    "tpu.region"() ({
      %run_scoped3A = tpu.sem_alloc : memref<!tpu.dma_semaphore, #tpu.memory_space<semaphore_mem>>
      %dma_start3A_111 = arith.constant 0 : i32
      %dma_start3A_112 = arith.constant 0 : i32
      %dma_start3A_113 = tpu.memref_slice %arg11[%dma_start3A_111, %dma_start3A_112] : memref<128x16xf32, #tpu.memory_space<vmem>> -> memref<120x16xf32, #tpu.memory_space<vmem>>
      %dma_start3A_114 = arith.constant 0 : i32
      %dma_start3A_115 = tpu.memref_slice %arg14[%add3A_35, %dma_start3A_114] : memref<10112x16xf32, #tpu.memory_space<vmem_shared>> -> memref<120x16xf32, #tpu.memory_space<vmem_shared>>
      %dma_start3A_116 = arith.constant 0 : i32
      %dma_start3A_117 = tpu.memref_slice %arg14[%add3A_35, %dma_start3A_116] : memref<10112x16xf32, #tpu.memory_space<vmem_shared>> -> memref<120x16xf32, #tpu.memory_space<vmem_shared>>
      %dma_start3A_118 = arith.constant 0 : i32
      %dma_start3A_119 = arith.constant 0 : i32
      %dma_start3A_120 = tpu.memref_slice %arg11[%dma_start3A_118, %dma_start3A_119] : memref<128x16xf32, #tpu.memory_space<vmem>> -> memref<120x16xf32, #tpu.memory_space<vmem>>
      tpu.enqueue_dma source(%dma_start3A_120 : memref<120x16xf32, #tpu.memory_space<vmem>>) target(%dma_start3A_117 : memref<120x16xf32, #tpu.memory_space<vmem_shared>>) target_semaphore(%run_scoped3A : memref<!tpu.dma_semaphore, #tpu.memory_space<semaphore_mem>>)
      %dma_wait3A = arith.constant 0 : i32
      %dma_wait3A_121 = arith.constant 0 : i32
      %dma_wait3A_122 = tpu.memref_slice %arg11[%dma_wait3A, %dma_wait3A_121] : memref<128x16xf32, #tpu.memory_space<vmem>> -> memref<120x16xf32, #tpu.memory_space<vmem>>
      %dma_wait3A_123 = arith.constant 0 : i32
      %dma_wait3A_124 = tpu.memref_slice %arg14[%add3A_35, %dma_wait3A_123] : memref<10112x16xf32, #tpu.memory_space<vmem_shared>> -> memref<120x16xf32, #tpu.memory_space<vmem_shared>>
      %dma_wait3A_125 = arith.constant 0 : i32
      %dma_wait3A_126 = tpu.memref_slice %arg14[%add3A_35, %dma_wait3A_125] : memref<10112x16xf32, #tpu.memory_space<vmem_shared>> -> memref<120x16xf32, #tpu.memory_space<vmem_shared>>
      %dma_wait3A_127 = arith.constant 0 : i32
      %dma_wait3A_128 = arith.constant 0 : i32
      %dma_wait3A_129 = tpu.memref_slice %arg11[%dma_wait3A_127, %dma_wait3A_128] : memref<128x16xf32, #tpu.memory_space<vmem>> -> memref<120x16xf32, #tpu.memory_space<vmem>>
      tpu.wait_dma2 semaphore(%run_scoped3A : memref<!tpu.dma_semaphore, #tpu.memory_space<semaphore_mem>>) src(%dma_wait3A_129 : memref<120x16xf32, #tpu.memory_space<vmem>>) dst(%dma_wait3A_126 : memref<120x16xf32, #tpu.memory_space<vmem_shared>>)
      tpu.yield
    }) : () -> ()
    %add3A_36 = arith.constant 512 : i32
    %add3A_37 = arith.addi %mul3A_8, %add3A_36 : i32
    "tpu.region"() ({
      %run_scoped3A = tpu.sem_alloc : memref<!tpu.dma_semaphore, #tpu.memory_space<semaphore_mem>>
      %dma_start3A_111 = arith.constant 0 : i32
      %dma_start3A_112 = arith.constant 0 : i32
      %dma_start3A_113 = tpu.memref_slice %arg11[%dma_start3A_111, %dma_start3A_112] : memref<128x16xf32, #tpu.memory_space<vmem>> -> memref<120x16xf32, #tpu.memory_space<vmem>>
      %dma_start3A_114 = arith.constant 0 : i32
      %dma_start3A_115 = tpu.memref_slice %arg15[%add3A_37, %dma_start3A_114] : memref<10112x16xf32, #tpu.memory_space<vmem_shared>> -> memref<120x16xf32, #tpu.memory_space<vmem_shared>>
      %dma_start3A_116 = arith.constant 0 : i32
      %dma_start3A_117 = tpu.memref_slice %arg15[%add3A_37, %dma_start3A_116] : memref<10112x16xf32, #tpu.memory_space<vmem_shared>> -> memref<120x16xf32, #tpu.memory_space<vmem_shared>>
      %dma_start3A_118 = arith.constant 0 : i32
      %dma_start3A_119 = arith.constant 0 : i32
      %dma_start3A_120 = tpu.memref_slice %arg11[%dma_start3A_118, %dma_start3A_119] : memref<128x16xf32, #tpu.memory_space<vmem>> -> memref<120x16xf32, #tpu.memory_space<vmem>>
      tpu.enqueue_dma source(%dma_start3A_120 : memref<120x16xf32, #tpu.memory_space<vmem>>) target(%dma_start3A_117 : memref<120x16xf32, #tpu.memory_space<vmem_shared>>) target_semaphore(%run_scoped3A : memref<!tpu.dma_semaphore, #tpu.memory_space<semaphore_mem>>)
      %dma_wait3A = arith.constant 0 : i32
      %dma_wait3A_121 = arith.constant 0 : i32
      %dma_wait3A_122 = tpu.memref_slice %arg11[%dma_wait3A, %dma_wait3A_121] : memref<128x16xf32, #tpu.memory_space<vmem>> -> memref<120x16xf32, #tpu.memory_space<vmem>>
      %dma_wait3A_123 = arith.constant 0 : i32
      %dma_wait3A_124 = tpu.memref_slice %arg15[%add3A_37, %dma_wait3A_123] : memref<10112x16xf32, #tpu.memory_space<vmem_shared>> -> memref<120x16xf32, #tpu.memory_space<vmem_shared>>
      %dma_wait3A_125 = arith.constant 0 : i32
      %dma_wait3A_126 = tpu.memref_slice %arg15[%add3A_37, %dma_wait3A_125] : memref<10112x16xf32, #tpu.memory_space<vmem_shared>> -> memref<120x16xf32, #tpu.memory_space<vmem_shared>>
      %dma_wait3A_127 = arith.constant 0 : i32
      %dma_wait3A_128 = arith.constant 0 : i32
      %dma_wait3A_129 = tpu.memref_slice %arg11[%dma_wait3A_127, %dma_wait3A_128] : memref<128x16xf32, #tpu.memory_space<vmem>> -> memref<120x16xf32, #tpu.memory_space<vmem>>
      tpu.wait_dma2 semaphore(%run_scoped3A : memref<!tpu.dma_semaphore, #tpu.memory_space<semaphore_mem>>) src(%dma_wait3A_129 : memref<120x16xf32, #tpu.memory_space<vmem>>) dst(%dma_wait3A_126 : memref<120x16xf32, #tpu.memory_space<vmem_shared>>)
      tpu.yield
    }) : () -> ()
    %barrier3A = arith.constant 0 : index
    tpu.barrier barrier_id(%barrier3A)
    %mul3A_38 = arith.constant 158 : i32
    %mul3A_39 = arith.muli %arg1, %mul3A_38 : i32
    %eq3A = arith.constant 15 : i32
    %eq3A_40 = arith.cmpi eq, %arg1, %eq3A : i32
    %jit3A = arith.constant 130 : i32
    %jit3A_41 = arith.constant 158 : i32
    %select_n3A = arith.select %eq3A_40, %jit3A, %jit3A_41 : i32
    %lt3A = arith.constant 15 : i32
    %lt3A_42 = arith.cmpi slt, %arg1, %lt3A : i32
    %convert_element_type3A = arith.extui %lt3A_42 : i1 to i32
    %cond3A = arith.constant 0 : i32
    %cond3A_43 = arith.cmpi ne, %convert_element_type3A, %cond3A : i32
    scf.if %cond3A_43 {
      %run_scoped3A = arith.constant 0 : i32
      "tpu.region"() ({
        %run_scoped3A_112 = tpu.sem_alloc : memref<!tpu.dma_semaphore, #tpu.memory_space<semaphore_mem>>
        %dma_start3A_113 = arith.constant 0 : i32
        %dma_start3A_114 = tpu.memref_slice %arg3[%run_scoped3A, %mul3A_39, %dma_start3A_113] : memref<2x2500x128xi32, #tpu.memory_space<hbm>> -> memref<1x158x128xi32, #tpu.memory_space<hbm>>
        %dma_start3A_115 = tpu.memref_squeeze %dma_start3A_114 : memref<1x158x128xi32, #tpu.memory_space<hbm>> -> memref<158x128xi32, #tpu.memory_space<hbm>>
        %dma_start3A_116 = arith.constant 0 : i32
        %dma_start3A_117 = tpu.memref_slice %arg3[%run_scoped3A, %mul3A_39, %dma_start3A_116] : memref<2x2500x128xi32, #tpu.memory_space<hbm>> -> memref<1x158x128xi32, #tpu.memory_space<hbm>>
        %dma_start3A_118 = tpu.memref_squeeze %dma_start3A_117 : memref<1x158x128xi32, #tpu.memory_space<hbm>> -> memref<158x128xi32, #tpu.memory_space<hbm>>
        tpu.enqueue_dma source(%dma_start3A_118 : memref<158x128xi32, #tpu.memory_space<hbm>>) target(%arg7 : memref<158x128xi32, #tpu.memory_space<vmem>>) target_semaphore(%run_scoped3A_112 : memref<!tpu.dma_semaphore, #tpu.memory_space<semaphore_mem>>)
        %dma_wait3A = arith.constant 0 : i32
        %dma_wait3A_119 = tpu.memref_slice %arg3[%run_scoped3A, %mul3A_39, %dma_wait3A] : memref<2x2500x128xi32, #tpu.memory_space<hbm>> -> memref<1x158x128xi32, #tpu.memory_space<hbm>>
        %dma_wait3A_120 = tpu.memref_squeeze %dma_wait3A_119 : memref<1x158x128xi32, #tpu.memory_space<hbm>> -> memref<158x128xi32, #tpu.memory_space<hbm>>
        %dma_wait3A_121 = arith.constant 0 : i32
        %dma_wait3A_122 = tpu.memref_slice %arg3[%run_scoped3A, %mul3A_39, %dma_wait3A_121] : memref<2x2500x128xi32, #tpu.memory_space<hbm>> -> memref<1x158x128xi32, #tpu.memory_space<hbm>>
        %dma_wait3A_123 = tpu.memref_squeeze %dma_wait3A_122 : memref<1x158x128xi32, #tpu.memory_space<hbm>> -> memref<158x128xi32, #tpu.memory_space<hbm>>
        tpu.wait_dma2 semaphore(%run_scoped3A_112 : memref<!tpu.dma_semaphore, #tpu.memory_space<semaphore_mem>>) src(%dma_wait3A_123 : memref<158x128xi32, #tpu.memory_space<hbm>>) dst(%arg7 : memref<158x128xi32, #tpu.memory_space<vmem>>)
        tpu.yield
      }) : () -> ()
      %run_scoped3A_111 = arith.constant 1 : i32
      "tpu.region"() ({
        %run_scoped3A_112 = tpu.sem_alloc : memref<!tpu.dma_semaphore, #tpu.memory_space<semaphore_mem>>
        %dma_start3A_113 = arith.constant 0 : i32
        %dma_start3A_114 = tpu.memref_slice %arg3[%run_scoped3A_111, %mul3A_39, %dma_start3A_113] : memref<2x2500x128xi32, #tpu.memory_space<hbm>> -> memref<1x158x128xi32, #tpu.memory_space<hbm>>
        %dma_start3A_115 = tpu.memref_squeeze %dma_start3A_114 : memref<1x158x128xi32, #tpu.memory_space<hbm>> -> memref<158x128xi32, #tpu.memory_space<hbm>>
        %dma_start3A_116 = arith.constant 0 : i32
        %dma_start3A_117 = tpu.memref_slice %arg3[%run_scoped3A_111, %mul3A_39, %dma_start3A_116] : memref<2x2500x128xi32, #tpu.memory_space<hbm>> -> memref<1x158x128xi32, #tpu.memory_space<hbm>>
        %dma_start3A_118 = tpu.memref_squeeze %dma_start3A_117 : memref<1x158x128xi32, #tpu.memory_space<hbm>> -> memref<158x128xi32, #tpu.memory_space<hbm>>
        tpu.enqueue_dma source(%dma_start3A_118 : memref<158x128xi32, #tpu.memory_space<hbm>>) target(%arg8 : memref<158x128xi32, #tpu.memory_space<vmem>>) target_semaphore(%run_scoped3A_112 : memref<!tpu.dma_semaphore, #tpu.memory_space<semaphore_mem>>)
        %dma_wait3A = arith.constant 0 : i32
        %dma_wait3A_119 = tpu.memref_slice %arg3[%run_scoped3A_111, %mul3A_39, %dma_wait3A] : memref<2x2500x128xi32, #tpu.memory_space<hbm>> -> memref<1x158x128xi32, #tpu.memory_space<hbm>>
        %dma_wait3A_120 = tpu.memref_squeeze %dma_wait3A_119 : memref<1x158x128xi32, #tpu.memory_space<hbm>> -> memref<158x128xi32, #tpu.memory_space<hbm>>
        %dma_wait3A_121 = arith.constant 0 : i32
        %dma_wait3A_122 = tpu.memref_slice %arg3[%run_scoped3A_111, %mul3A_39, %dma_wait3A_121] : memref<2x2500x128xi32, #tpu.memory_space<hbm>> -> memref<1x158x128xi32, #tpu.memory_space<hbm>>
        %dma_wait3A_123 = tpu.memref_squeeze %dma_wait3A_122 : memref<1x158x128xi32, #tpu.memory_space<hbm>> -> memref<158x128xi32, #tpu.memory_space<hbm>>
        tpu.wait_dma2 semaphore(%run_scoped3A_112 : memref<!tpu.dma_semaphore, #tpu.memory_space<semaphore_mem>>) src(%dma_wait3A_123 : memref<158x128xi32, #tpu.memory_space<hbm>>) dst(%arg8 : memref<158x128xi32, #tpu.memory_space<vmem>>)
        tpu.yield
      }) : () -> ()
    } else {
    }
    %eq3A_44 = arith.constant 15 : i32
    %eq3A_45 = arith.cmpi eq, %arg1, %eq3A_44 : i32
    %convert_element_type3A_46 = arith.extui %eq3A_45 : i1 to i32
    %cond3A_47 = arith.constant 0 : i32
    %cond3A_48 = arith.cmpi ne, %convert_element_type3A_46, %cond3A_47 : i32
    scf.if %cond3A_48 {
      %run_scoped3A = arith.constant 0 : i32
      "tpu.region"() ({
        %run_scoped3A_112 = tpu.sem_alloc : memref<!tpu.dma_semaphore, #tpu.memory_space<semaphore_mem>>
        %dma_start3A_113 = arith.constant 0 : i32
        %dma_start3A_114 = arith.constant 0 : i32
        %dma_start3A_115 = tpu.memref_slice %arg7[%dma_start3A_113, %dma_start3A_114] : memref<158x128xi32, #tpu.memory_space<vmem>> -> memref<130x128xi32, #tpu.memory_space<vmem>>
        %dma_start3A_116 = arith.constant 0 : i32
        %dma_start3A_117 = tpu.memref_slice %arg3[%run_scoped3A, %mul3A_39, %dma_start3A_116] : memref<2x2500x128xi32, #tpu.memory_space<hbm>> -> memref<1x130x128xi32, #tpu.memory_space<hbm>>
        %dma_start3A_118 = tpu.memref_squeeze %dma_start3A_117 : memref<1x130x128xi32, #tpu.memory_space<hbm>> -> memref<130x128xi32, #tpu.memory_space<hbm>>
        %dma_start3A_119 = arith.constant 0 : i32
        %dma_start3A_120 = arith.constant 0 : i32
        %dma_start3A_121 = tpu.memref_slice %arg7[%dma_start3A_119, %dma_start3A_120] : memref<158x128xi32, #tpu.memory_space<vmem>> -> memref<130x128xi32, #tpu.memory_space<vmem>>
        %dma_start3A_122 = arith.constant 0 : i32
        %dma_start3A_123 = tpu.memref_slice %arg3[%run_scoped3A, %mul3A_39, %dma_start3A_122] : memref<2x2500x128xi32, #tpu.memory_space<hbm>> -> memref<1x130x128xi32, #tpu.memory_space<hbm>>
        %dma_start3A_124 = tpu.memref_squeeze %dma_start3A_123 : memref<1x130x128xi32, #tpu.memory_space<hbm>> -> memref<130x128xi32, #tpu.memory_space<hbm>>
        tpu.enqueue_dma source(%dma_start3A_124 : memref<130x128xi32, #tpu.memory_space<hbm>>) target(%dma_start3A_121 : memref<130x128xi32, #tpu.memory_space<vmem>>) target_semaphore(%run_scoped3A_112 : memref<!tpu.dma_semaphore, #tpu.memory_space<semaphore_mem>>)
        %dma_wait3A = arith.constant 0 : i32
        %dma_wait3A_125 = arith.constant 0 : i32
        %dma_wait3A_126 = tpu.memref_slice %arg7[%dma_wait3A, %dma_wait3A_125] : memref<158x128xi32, #tpu.memory_space<vmem>> -> memref<130x128xi32, #tpu.memory_space<vmem>>
        %dma_wait3A_127 = arith.constant 0 : i32
        %dma_wait3A_128 = tpu.memref_slice %arg3[%run_scoped3A, %mul3A_39, %dma_wait3A_127] : memref<2x2500x128xi32, #tpu.memory_space<hbm>> -> memref<1x130x128xi32, #tpu.memory_space<hbm>>
        %dma_wait3A_129 = tpu.memref_squeeze %dma_wait3A_128 : memref<1x130x128xi32, #tpu.memory_space<hbm>> -> memref<130x128xi32, #tpu.memory_space<hbm>>
        %dma_wait3A_130 = arith.constant 0 : i32
        %dma_wait3A_131 = arith.constant 0 : i32
        %dma_wait3A_132 = tpu.memref_slice %arg7[%dma_wait3A_130, %dma_wait3A_131] : memref<158x128xi32, #tpu.memory_space<vmem>> -> memref<130x128xi32, #tpu.memory_space<vmem>>
        %dma_wait3A_133 = arith.constant 0 : i32
        %dma_wait3A_134 = tpu.memref_slice %arg3[%run_scoped3A, %mul3A_39, %dma_wait3A_133] : memref<2x2500x128xi32, #tpu.memory_space<hbm>> -> memref<1x130x128xi32, #tpu.memory_space<hbm>>
        %dma_wait3A_135 = tpu.memref_squeeze %dma_wait3A_134 : memref<1x130x128xi32, #tpu.memory_space<hbm>> -> memref<130x128xi32, #tpu.memory_space<hbm>>
        tpu.wait_dma2 semaphore(%run_scoped3A_112 : memref<!tpu.dma_semaphore, #tpu.memory_space<semaphore_mem>>) src(%dma_wait3A_135 : memref<130x128xi32, #tpu.memory_space<hbm>>) dst(%dma_wait3A_132 : memref<130x128xi32, #tpu.memory_space<vmem>>)
        tpu.yield
      }) : () -> ()
      %run_scoped3A_111 = arith.constant 1 : i32
      "tpu.region"() ({
        %run_scoped3A_112 = tpu.sem_alloc : memref<!tpu.dma_semaphore, #tpu.memory_space<semaphore_mem>>
        %dma_start3A_113 = arith.constant 0 : i32
        %dma_start3A_114 = arith.constant 0 : i32
        %dma_start3A_115 = tpu.memref_slice %arg8[%dma_start3A_113, %dma_start3A_114] : memref<158x128xi32, #tpu.memory_space<vmem>> -> memref<130x128xi32, #tpu.memory_space<vmem>>
        %dma_start3A_116 = arith.constant 0 : i32
        %dma_start3A_117 = tpu.memref_slice %arg3[%run_scoped3A_111, %mul3A_39, %dma_start3A_116] : memref<2x2500x128xi32, #tpu.memory_space<hbm>> -> memref<1x130x128xi32, #tpu.memory_space<hbm>>
        %dma_start3A_118 = tpu.memref_squeeze %dma_start3A_117 : memref<1x130x128xi32, #tpu.memory_space<hbm>> -> memref<130x128xi32, #tpu.memory_space<hbm>>
        %dma_start3A_119 = arith.constant 0 : i32
        %dma_start3A_120 = arith.constant 0 : i32
        %dma_start3A_121 = tpu.memref_slice %arg8[%dma_start3A_119, %dma_start3A_120] : memref<158x128xi32, #tpu.memory_space<vmem>> -> memref<130x128xi32, #tpu.memory_space<vmem>>
        %dma_start3A_122 = arith.constant 0 : i32
        %dma_start3A_123 = tpu.memref_slice %arg3[%run_scoped3A_111, %mul3A_39, %dma_start3A_122] : memref<2x2500x128xi32, #tpu.memory_space<hbm>> -> memref<1x130x128xi32, #tpu.memory_space<hbm>>
        %dma_start3A_124 = tpu.memref_squeeze %dma_start3A_123 : memref<1x130x128xi32, #tpu.memory_space<hbm>> -> memref<130x128xi32, #tpu.memory_space<hbm>>
        tpu.enqueue_dma source(%dma_start3A_124 : memref<130x128xi32, #tpu.memory_space<hbm>>) target(%dma_start3A_121 : memref<130x128xi32, #tpu.memory_space<vmem>>) target_semaphore(%run_scoped3A_112 : memref<!tpu.dma_semaphore, #tpu.memory_space<semaphore_mem>>)
        %dma_wait3A = arith.constant 0 : i32
        %dma_wait3A_125 = arith.constant 0 : i32
        %dma_wait3A_126 = tpu.memref_slice %arg8[%dma_wait3A, %dma_wait3A_125] : memref<158x128xi32, #tpu.memory_space<vmem>> -> memref<130x128xi32, #tpu.memory_space<vmem>>
        %dma_wait3A_127 = arith.constant 0 : i32
        %dma_wait3A_128 = tpu.memref_slice %arg3[%run_scoped3A_111, %mul3A_39, %dma_wait3A_127] : memref<2x2500x128xi32, #tpu.memory_space<hbm>> -> memref<1x130x128xi32, #tpu.memory_space<hbm>>
        %dma_wait3A_129 = tpu.memref_squeeze %dma_wait3A_128 : memref<1x130x128xi32, #tpu.memory_space<hbm>> -> memref<130x128xi32, #tpu.memory_space<hbm>>
        %dma_wait3A_130 = arith.constant 0 : i32
        %dma_wait3A_131 = arith.constant 0 : i32
        %dma_wait3A_132 = tpu.memref_slice %arg8[%dma_wait3A_130, %dma_wait3A_131] : memref<158x128xi32, #tpu.memory_space<vmem>> -> memref<130x128xi32, #tpu.memory_space<vmem>>
        %dma_wait3A_133 = arith.constant 0 : i32
        %dma_wait3A_134 = tpu.memref_slice %arg3[%run_scoped3A_111, %mul3A_39, %dma_wait3A_133] : memref<2x2500x128xi32, #tpu.memory_space<hbm>> -> memref<1x130x128xi32, #tpu.memory_space<hbm>>
        %dma_wait3A_135 = tpu.memref_squeeze %dma_wait3A_134 : memref<1x130x128xi32, #tpu.memory_space<hbm>> -> memref<130x128xi32, #tpu.memory_space<hbm>>
        tpu.wait_dma2 semaphore(%run_scoped3A_112 : memref<!tpu.dma_semaphore, #tpu.memory_space<semaphore_mem>>) src(%dma_wait3A_135 : memref<130x128xi32, #tpu.memory_space<hbm>>) dst(%dma_wait3A_132 : memref<130x128xi32, #tpu.memory_space<vmem>>)
        tpu.yield
      }) : () -> ()
    } else {
    }
    %mul3A_49 = arith.constant 8 : i32
    %mul3A_50 = arith.muli %select_n3A, %mul3A_49 : i32
    %while3A = arith.constant 0 : i32
    %while3A_51 = arith.constant 0 : i32
    %while3A_52 = arith.subi %mul3A_50, %while3A_51 : i32
    %while3A_53 = arith.addi %while3A_51, %while3A_52 : i32
    %while3A_54 = arith.constant 1 : i32
    %while3A_55 = arith.divsi %while3A_52, %while3A_54 : i32
    %while3A_56 = arith.muli %while3A_55, %while3A_54 : i32
    %while3A_57 = arith.addi %while3A_51, %while3A_56 : i32
    %while3A_58 = arith.constant 1 : i32
    scf.for %while3A_111 = %while3A_51 to %while3A_57 step %while3A_58  : i32 {
      %jit3A_112 = arith.constant 8 : i32
      %div3A_113 = arith.divsi %while3A_111, %jit3A_112 : i32
      %sign3A_114 = arith.constant 0 : i32
      %sign3A_115 = arith.cmpi sgt, %while3A_111, %sign3A_114 : i32
      %sign3A_116 = arith.extui %sign3A_115 : i1 to i32
      %sign3A_117 = arith.constant 0 : i32
      %sign3A_118 = arith.cmpi slt, %while3A_111, %sign3A_117 : i32
      %sign3A_119 = arith.extui %sign3A_118 : i1 to i32
      %sign3A_120 = arith.subi %sign3A_116, %sign3A_119 : i32
      %sign3A_121 = arith.constant 0 : i32
      %sign3A_122 = arith.cmpi sgt, %jit3A_112, %sign3A_121 : i32
      %sign3A_123 = arith.extui %sign3A_122 : i1 to i32
      %sign3A_124 = arith.constant 0 : i32
      %sign3A_125 = arith.cmpi slt, %jit3A_112, %sign3A_124 : i32
      %sign3A_126 = arith.extui %sign3A_125 : i1 to i32
      %sign3A_127 = arith.subi %sign3A_123, %sign3A_126 : i32
      %ne3A_128 = arith.cmpi ne, %sign3A_120, %sign3A_127 : i32
      %rem3A_129 = arith.remsi %while3A_111, %jit3A_112 : i32
      %ne3A_130 = arith.constant 0 : i32
      %ne3A_131 = arith.cmpi ne, %rem3A_129, %ne3A_130 : i32
      %and3A_132 = arith.andi %ne3A_128, %ne3A_131 : i1
      %sub3A_133 = arith.constant 1 : i32
      %sub3A_134 = arith.subi %div3A_113, %sub3A_133 : i32
      %select_n3A_135 = arith.select %and3A_132, %sub3A_134, %div3A_113 : i32
      %jit3A_136 = arith.constant 8 : i32
      %eq3A_137 = arith.constant 0 : i32
      %eq3A_138 = arith.cmpi eq, %jit3A_136, %eq3A_137 : i32
      %jit3A_139 = arith.constant 1 : i32
      %select_n3A_140 = arith.select %eq3A_138, %jit3A_139, %jit3A_136 : i32
      %rem3A_141 = arith.remsi %while3A_111, %select_n3A_140 : i32
      %ne3A_142 = arith.constant 0 : i32
      %ne3A_143 = arith.cmpi ne, %rem3A_141, %ne3A_142 : i32
      %lt3A_144 = arith.constant 0 : i32
      %lt3A_145 = arith.cmpi slt, %rem3A_141, %lt3A_144 : i32
      %lt3A_146 = arith.constant 0 : i32
      %lt3A_147 = arith.cmpi slt, %select_n3A_140, %lt3A_146 : i32
      %ne3A_148 = arith.xori %lt3A_145, %lt3A_147 : i1
      %and3A_149 = arith.andi %ne3A_148, %ne3A_143 : i1
      %add3A_150 = arith.addi %rem3A_141, %select_n3A_140 : i32
      %select_n3A_151 = arith.select %and3A_149, %add3A_150, %rem3A_141 : i32
      %mul3A_152 = arith.constant 16 : i32
      %mul3A_153 = arith.muli %select_n3A_151, %mul3A_152 : i32
      %get3A = arith.index_cast %select_n3A_135 : i32 to index
      %get3A_154 = arith.index_cast %mul3A_153 : i32 to index
      %get3A_155 = tpu.vector_load %arg7[%get3A, %get3A_154] {strides = array<i32>} : memref<158x128xi32, #tpu.memory_space<vmem>>, vector<1x16xi32>,
      %get3A_156 = vector.shape_cast %get3A_155 : vector<1x16xi32> to vector<16xi32>
      %add3A_157 = arith.addi %get3A_156, %get3A_156 : vector<16xi32>
      %add3A_158 = vector.broadcast %arg0 : i32 to vector<16xi32>
      %add3A_159 = arith.addi %add3A_157, %add3A_158 : vector<16xi32>
      %mul3A_160 = arith.constant 16 : i32
      %mul3A_161 = arith.muli %select_n3A_151, %mul3A_160 : i32
      %swap3A = arith.index_cast %select_n3A_135 : i32 to index
      %swap3A_162 = arith.index_cast %mul3A_161 : i32 to index
      %swap3A_163 = tpu.vector_load %arg7[%swap3A, %swap3A_162] {strides = array<i32>} : memref<158x128xi32, #tpu.memory_space<vmem>>, vector<1x16xi32>,
      %swap3A_164 = vector.shape_cast %swap3A_163 : vector<1x16xi32> to vector<16xi32>
      %swap3A_165 = vector.shape_cast %add3A_159 : vector<16xi32> to vector<1x16xi32>
      tpu.vector_store %arg7[%swap3A, %swap3A_162], %swap3A_165 {strides = array<i32>} : memref<158x128xi32, #tpu.memory_space<vmem>>, vector<1x16xi32>,
    }
    %while3A_59 = arith.constant 1 : i32
    scf.for %while3A_111 = %while3A_57 to %while3A_53 step %while3A_59  : i32 {
      %jit3A_112 = arith.constant 8 : i32
      %div3A_113 = arith.divsi %while3A_111, %jit3A_112 : i32
      %sign3A_114 = arith.constant 0 : i32
      %sign3A_115 = arith.cmpi sgt, %while3A_111, %sign3A_114 : i32
      %sign3A_116 = arith.extui %sign3A_115 : i1 to i32
      %sign3A_117 = arith.constant 0 : i32
      %sign3A_118 = arith.cmpi slt, %while3A_111, %sign3A_117 : i32
      %sign3A_119 = arith.extui %sign3A_118 : i1 to i32
      %sign3A_120 = arith.subi %sign3A_116, %sign3A_119 : i32
      %sign3A_121 = arith.constant 0 : i32
      %sign3A_122 = arith.cmpi sgt, %jit3A_112, %sign3A_121 : i32
      %sign3A_123 = arith.extui %sign3A_122 : i1 to i32
      %sign3A_124 = arith.constant 0 : i32
      %sign3A_125 = arith.cmpi slt, %jit3A_112, %sign3A_124 : i32
      %sign3A_126 = arith.extui %sign3A_125 : i1 to i32
      %sign3A_127 = arith.subi %sign3A_123, %sign3A_126 : i32
      %ne3A_128 = arith.cmpi ne, %sign3A_120, %sign3A_127 : i32
      %rem3A_129 = arith.remsi %while3A_111, %jit3A_112 : i32
      %ne3A_130 = arith.constant 0 : i32
      %ne3A_131 = arith.cmpi ne, %rem3A_129, %ne3A_130 : i32
      %and3A_132 = arith.andi %ne3A_128, %ne3A_131 : i1
      %sub3A_133 = arith.constant 1 : i32
      %sub3A_134 = arith.subi %div3A_113, %sub3A_133 : i32
      %select_n3A_135 = arith.select %and3A_132, %sub3A_134, %div3A_113 : i32
      %jit3A_136 = arith.constant 8 : i32
      %eq3A_137 = arith.constant 0 : i32
      %eq3A_138 = arith.cmpi eq, %jit3A_136, %eq3A_137 : i32
      %jit3A_139 = arith.constant 1 : i32
      %select_n3A_140 = arith.select %eq3A_138, %jit3A_139, %jit3A_136 : i32
      %rem3A_141 = arith.remsi %while3A_111, %select_n3A_140 : i32
      %ne3A_142 = arith.constant 0 : i32
      %ne3A_143 = arith.cmpi ne, %rem3A_141, %ne3A_142 : i32
      %lt3A_144 = arith.constant 0 : i32
      %lt3A_145 = arith.cmpi slt, %rem3A_141, %lt3A_144 : i32
      %lt3A_146 = arith.constant 0 : i32
      %lt3A_147 = arith.cmpi slt, %select_n3A_140, %lt3A_146 : i32
      %ne3A_148 = arith.xori %lt3A_145, %lt3A_147 : i1
      %and3A_149 = arith.andi %ne3A_148, %ne3A_143 : i1
      %add3A_150 = arith.addi %rem3A_141, %select_n3A_140 : i32
      %select_n3A_151 = arith.select %and3A_149, %add3A_150, %rem3A_141 : i32
      %mul3A_152 = arith.constant 16 : i32
      %mul3A_153 = arith.muli %select_n3A_151, %mul3A_152 : i32
      %get3A = arith.index_cast %select_n3A_135 : i32 to index
      %get3A_154 = arith.index_cast %mul3A_153 : i32 to index
      %get3A_155 = tpu.vector_load %arg7[%get3A, %get3A_154] {strides = array<i32>} : memref<158x128xi32, #tpu.memory_space<vmem>>, vector<1x16xi32>,
      %get3A_156 = vector.shape_cast %get3A_155 : vector<1x16xi32> to vector<16xi32>
      %add3A_157 = arith.addi %get3A_156, %get3A_156 : vector<16xi32>
      %add3A_158 = vector.broadcast %arg0 : i32 to vector<16xi32>
      %add3A_159 = arith.addi %add3A_157, %add3A_158 : vector<16xi32>
      %mul3A_160 = arith.constant 16 : i32
      %mul3A_161 = arith.muli %select_n3A_151, %mul3A_160 : i32
      %swap3A = arith.index_cast %select_n3A_135 : i32 to index
      %swap3A_162 = arith.index_cast %mul3A_161 : i32 to index
      %swap3A_163 = tpu.vector_load %arg7[%swap3A, %swap3A_162] {strides = array<i32>} : memref<158x128xi32, #tpu.memory_space<vmem>>, vector<1x16xi32>,
      %swap3A_164 = vector.shape_cast %swap3A_163 : vector<1x16xi32> to vector<16xi32>
      %swap3A_165 = vector.shape_cast %add3A_159 : vector<16xi32> to vector<1x16xi32>
      tpu.vector_store %arg7[%swap3A, %swap3A_162], %swap3A_165 {strides = array<i32>} : memref<158x128xi32, #tpu.memory_space<vmem>>, vector<1x16xi32>,
    }
    %eq3A_60 = arith.constant 0 : i32
    %eq3A_61 = arith.cmpi eq, %arg0, %eq3A_60 : i32
    %dma_start3A = arith.constant 0 : i32
    %dma_start3A_62 = arith.constant 0 : i32
    %dma_start3A_63 = tpu.memref_slice %arg7[%dma_start3A, %dma_start3A_62] : memref<158x128xi32, #tpu.memory_space<vmem>> -> memref<1x128xi32, #tpu.memory_space<vmem>>
    %dma_start3A_64 = tpu.memref_squeeze %dma_start3A_63 : memref<1x128xi32, #tpu.memory_space<vmem>> -> memref<128xi32, #tpu.memory_space<vmem>>
    %dma_start3A_65 = arith.constant 0 : i32
    %dma_start3A_66 = arith.constant 0 : i32
    %dma_start3A_67 = tpu.memref_slice %arg2[%dma_start3A_65, %dma_start3A_66] : memref<20000x64xf32, #tpu.memory_space<hbm>> -> memref<20000x64xf32, #tpu.memory_space<hbm>>
    tpu.enqueue_indirect_dma source(%dma_start3A_67 : memref<20000x64xf32, #tpu.memory_space<hbm>>) target(%arg9 : memref<128x64xf32, #tpu.memory_space<vmem>>) offsets(%dma_start3A_64 : memref<128xi32, #tpu.memory_space<vmem>>) semaphore(%arg16 : memref<!tpu.dma_semaphore, #tpu.memory_space<semaphore_mem>>)
    %jit3A_68 = arith.constant 2 : i32
    %div3A = arith.divsi %select_n3A, %jit3A_68 : i32
    %sign3A = arith.constant 0 : i32
    %sign3A_69 = arith.cmpi sgt, %select_n3A, %sign3A : i32
    %sign3A_70 = arith.extui %sign3A_69 : i1 to i32
    %sign3A_71 = arith.constant 0 : i32
    %sign3A_72 = arith.cmpi slt, %select_n3A, %sign3A_71 : i32
    %sign3A_73 = arith.extui %sign3A_72 : i1 to i32
    %sign3A_74 = arith.subi %sign3A_70, %sign3A_73 : i32
    %sign3A_75 = arith.constant 0 : i32
    %sign3A_76 = arith.cmpi sgt, %jit3A_68, %sign3A_75 : i32
    %sign3A_77 = arith.extui %sign3A_76 : i1 to i32
    %sign3A_78 = arith.constant 0 : i32
    %sign3A_79 = arith.cmpi slt, %jit3A_68, %sign3A_78 : i32
    %sign3A_80 = arith.extui %sign3A_79 : i1 to i32
    %sign3A_81 = arith.subi %sign3A_77, %sign3A_80 : i32
    %ne3A = arith.cmpi ne, %sign3A_74, %sign3A_81 : i32
    %rem3A = arith.remsi %select_n3A, %jit3A_68 : i32
    %ne3A_82 = arith.constant 0 : i32
    %ne3A_83 = arith.cmpi ne, %rem3A, %ne3A_82 : i32
    %and3A = arith.andi %ne3A, %ne3A_83 : i1
    %sub3A = arith.constant 1 : i32
    %sub3A_84 = arith.subi %div3A, %sub3A : i32
    %select_n3A_85 = arith.select %and3A, %sub3A_84, %div3A : i32
    %while3A_86 = arith.constant 0 : i32
    %while3A_87 = arith.constant 0 : i32
    %while3A_88 = arith.subi %select_n3A_85, %while3A_86 : i32
    %while3A_89 = arith.addi %while3A_86, %while3A_88 : i32
    %while3A_90 = arith.constant 1 : i32
    %while3A_91 = arith.divsi %while3A_88, %while3A_90 : i32
    %while3A_92 = arith.muli %while3A_91, %while3A_90 : i32
    %while3A_93 = arith.addi %while3A_86, %while3A_92 : i32
    %while3A_94 = arith.constant 1 : i32
    %while3A_95 = scf.for %while3A_111 = %while3A_86 to %while3A_93 step %while3A_94 iter_args(%while3A_112 = %while3A_87) -> (i32)  : i32 {
      %mul3A_113 = arith.constant 2 : i32
      %mul3A_114 = arith.muli %while3A_111, %mul3A_113 : i32
      %add3A_115 = arith.constant 1 : i32
      %add3A_116 = arith.addi %mul3A_114, %add3A_115 : i32
      %dma_start3A_117 = arith.constant 0 : i32
      %dma_start3A_118 = tpu.memref_slice %arg7[%add3A_116, %dma_start3A_117] : memref<158x128xi32, #tpu.memory_space<vmem>> -> memref<1x128xi32, #tpu.memory_space<vmem>>
      %dma_start3A_119 = tpu.memref_squeeze %dma_start3A_118 : memref<1x128xi32, #tpu.memory_space<vmem>> -> memref<128xi32, #tpu.memory_space<vmem>>
      %dma_start3A_120 = arith.constant 0 : i32
      %dma_start3A_121 = arith.constant 0 : i32
      %dma_start3A_122 = tpu.memref_slice %arg2[%dma_start3A_120, %dma_start3A_121] : memref<20000x64xf32, #tpu.memory_space<hbm>> -> memref<20000x64xf32, #tpu.memory_space<hbm>>
      tpu.enqueue_indirect_dma source(%dma_start3A_122 : memref<20000x64xf32, #tpu.memory_space<hbm>>) target(%arg10 : memref<128x64xf32, #tpu.memory_space<vmem>>) offsets(%dma_start3A_119 : memref<128xi32, #tpu.memory_space<vmem>>) semaphore(%arg17 : memref<!tpu.dma_semaphore, #tpu.memory_space<semaphore_mem>>)
      %dma_wait3A = arith.constant 0 : i32
      %dma_wait3A_123 = tpu.memref_slice %arg7[%mul3A_114, %dma_wait3A] : memref<158x128xi32, #tpu.memory_space<vmem>> -> memref<1x128xi32, #tpu.memory_space<vmem>>
      %dma_wait3A_124 = tpu.memref_squeeze %dma_wait3A_123 : memref<1x128xi32, #tpu.memory_space<vmem>> -> memref<128xi32, #tpu.memory_space<vmem>>
      %dma_wait3A_125 = arith.constant 0 : i32
      %dma_wait3A_126 = arith.constant 0 : i32
      %dma_wait3A_127 = tpu.memref_slice %arg2[%dma_wait3A_125, %dma_wait3A_126] : memref<20000x64xf32, #tpu.memory_space<hbm>> -> memref<20000x64xf32, #tpu.memory_space<hbm>>
      tpu.wait_indirect_dma semaphore(%arg16 : memref<!tpu.dma_semaphore, #tpu.memory_space<semaphore_mem>>) src(%dma_wait3A_127 : memref<20000x64xf32, #tpu.memory_space<hbm>>) dst(%arg9 : memref<128x64xf32, #tpu.memory_space<vmem>>)
      "tpu.region"() ({
        %run_scoped3A = tpu.sem_alloc : memref<!tpu.dma_semaphore, #tpu.memory_space<semaphore_mem>>
        %dma_start3A_163 = arith.constant 0 : i32
        %dma_start3A_164 = tpu.memref_slice %arg8[%mul3A_114, %dma_start3A_163] : memref<158x128xi32, #tpu.memory_space<vmem>> -> memref<1x128xi32, #tpu.memory_space<vmem>>
        %dma_start3A_165 = tpu.memref_squeeze %dma_start3A_164 : memref<1x128xi32, #tpu.memory_space<vmem>> -> memref<128xi32, #tpu.memory_space<vmem>>
        %dma_start3A_166 = arith.constant 0 : i32
        %dma_start3A_167 = arith.constant 0 : i32
        %dma_start3A_168 = tpu.memref_slice %arg13[%dma_start3A_166, %dma_start3A_167] : memref<10112x64xf32, #tpu.memory_space<vmem_shared>> -> memref<10112x64xf32, #tpu.memory_space<vmem_shared>>
        tpu.enqueue_indirect_dma source(%arg9 : memref<128x64xf32, #tpu.memory_space<vmem>>) target(%dma_start3A_168 : memref<10112x64xf32, #tpu.memory_space<vmem_shared>>) offsets(%dma_start3A_165 : memref<128xi32, #tpu.memory_space<vmem>>) semaphore(%run_scoped3A : memref<!tpu.dma_semaphore, #tpu.memory_space<semaphore_mem>>) {add = true}
        %dma_wait3A_169 = arith.constant 0 : i32
        %dma_wait3A_170 = tpu.memref_slice %arg8[%mul3A_114, %dma_wait3A_169] : memref<158x128xi32, #tpu.memory_space<vmem>> -> memref<1x128xi32, #tpu.memory_space<vmem>>
        %dma_wait3A_171 = tpu.memref_squeeze %dma_wait3A_170 : memref<1x128xi32, #tpu.memory_space<vmem>> -> memref<128xi32, #tpu.memory_space<vmem>>
        %dma_wait3A_172 = arith.constant 0 : i32
        %dma_wait3A_173 = arith.constant 0 : i32
        %dma_wait3A_174 = tpu.memref_slice %arg13[%dma_wait3A_172, %dma_wait3A_173] : memref<10112x64xf32, #tpu.memory_space<vmem_shared>> -> memref<10112x64xf32, #tpu.memory_space<vmem_shared>>
        tpu.wait_indirect_dma semaphore(%run_scoped3A : memref<!tpu.dma_semaphore, #tpu.memory_space<semaphore_mem>>) src(%arg9 : memref<128x64xf32, #tpu.memory_space<vmem>>) dst(%dma_wait3A_174 : memref<10112x64xf32, #tpu.memory_space<vmem_shared>>)
        tpu.yield
      }) : () -> ()
      %lt3A_128 = arith.constant 79 : i32
      %lt3A_129 = arith.cmpi slt, %mul3A_114, %lt3A_128 : i32
      %ge3A = arith.constant 79 : i32
      %ge3A_130 = arith.cmpi sge, %mul3A_114, %ge3A : i32
      %select_n3A_131 = arith.select %eq3A_61, %lt3A_129, %ge3A_130 : i1
      %convert_element_type3A_132 = arith.extui %select_n3A_131 : i1 to i32
      %cond3A_133 = arith.constant 0 : i32
      %cond3A_134 = arith.cmpi ne, %convert_element_type3A_132, %cond3A_133 : i32
      scf.if %cond3A_134 {
        %gt3A_163 = arith.constant 0 : i32
        %gt3A_164 = arith.cmpi sgt, %while3A_112, %gt3A_163 : i32
        %convert_element_type3A_165 = arith.extui %gt3A_164 : i1 to i32
        %cond3A_166 = arith.constant 0 : i32
        %cond3A_167 = arith.cmpi ne, %convert_element_type3A_165, %cond3A_166 : i32
        scf.if %cond3A_167 {
          %dma_wait3A_183 = arith.constant 0 : i32
          %dma_wait3A_184 = tpu.memref_slice %arg8[%mul3A_114, %dma_wait3A_183] : memref<158x128xi32, #tpu.memory_space<vmem>> -> memref<1x128xi32, #tpu.memory_space<vmem>>
          %dma_wait3A_185 = tpu.memref_squeeze %dma_wait3A_184 : memref<1x128xi32, #tpu.memory_space<vmem>> -> memref<128xi32, #tpu.memory_space<vmem>>
          %dma_wait3A_186 = arith.constant 0 : i32
          %dma_wait3A_187 = arith.constant 0 : i32
          %dma_wait3A_188 = tpu.memref_slice %arg14[%dma_wait3A_186, %dma_wait3A_187] : memref<10112x16xf32, #tpu.memory_space<vmem_shared>> -> memref<10112x16xf32, #tpu.memory_space<vmem_shared>>
          tpu.wait_indirect_dma semaphore(%arg18 : memref<!tpu.dma_semaphore, #tpu.memory_space<semaphore_mem>>) src(%arg11 : memref<128x16xf32, #tpu.memory_space<vmem>>) dst(%dma_wait3A_188 : memref<10112x16xf32, #tpu.memory_space<vmem_shared>>)
          %dma_wait3A_189 = arith.constant 0 : i32
          %dma_wait3A_190 = tpu.memref_slice %arg8[%mul3A_114, %dma_wait3A_189] : memref<158x128xi32, #tpu.memory_space<vmem>> -> memref<1x128xi32, #tpu.memory_space<vmem>>
          %dma_wait3A_191 = tpu.memref_squeeze %dma_wait3A_190 : memref<1x128xi32, #tpu.memory_space<vmem>> -> memref<128xi32, #tpu.memory_space<vmem>>
          %dma_wait3A_192 = arith.constant 0 : i32
          %dma_wait3A_193 = arith.constant 0 : i32
          %dma_wait3A_194 = tpu.memref_slice %arg15[%dma_wait3A_192, %dma_wait3A_193] : memref<10112x16xf32, #tpu.memory_space<vmem_shared>> -> memref<10112x16xf32, #tpu.memory_space<vmem_shared>>
          tpu.wait_indirect_dma semaphore(%arg18 : memref<!tpu.dma_semaphore, #tpu.memory_space<semaphore_mem>>) src(%arg12 : memref<128x16xf32, #tpu.memory_space<vmem>>) dst(%dma_wait3A_194 : memref<10112x16xf32, #tpu.memory_space<vmem_shared>>)
        } else {
        }
        %add3A_168 = arith.addi %mul3A_39, %mul3A_114 : i32
        %mul3A_169 = arith.constant 128 : i32
        %mul3A_170 = arith.muli %add3A_168, %mul3A_169 : i32
        "tpu.region"() ({
          %run_scoped3A = tpu.sem_alloc : memref<!tpu.dma_semaphore, #tpu.memory_space<semaphore_mem>>
          %dma_start3A_183 = arith.constant 0 : i32
          %dma_start3A_184 = tpu.memref_slice %arg4[%mul3A_170, %dma_start3A_183] : memref<320000x16xf32, #tpu.memory_space<hbm>> -> memref<128x16xf32, #tpu.memory_space<hbm>>
          %dma_start3A_185 = arith.constant 0 : i32
          %dma_start3A_186 = tpu.memref_slice %arg4[%mul3A_170, %dma_start3A_185] : memref<320000x16xf32, #tpu.memory_space<hbm>> -> memref<128x16xf32, #tpu.memory_space<hbm>>
          tpu.enqueue_dma source(%dma_start3A_186 : memref<128x16xf32, #tpu.memory_space<hbm>>) target(%arg11 : memref<128x16xf32, #tpu.memory_space<vmem>>) target_semaphore(%run_scoped3A : memref<!tpu.dma_semaphore, #tpu.memory_space<semaphore_mem>>)
          %dma_wait3A_187 = arith.constant 0 : i32
          %dma_wait3A_188 = tpu.memref_slice %arg4[%mul3A_170, %dma_wait3A_187] : memref<320000x16xf32, #tpu.memory_space<hbm>> -> memref<128x16xf32, #tpu.memory_space<hbm>>
          %dma_wait3A_189 = arith.constant 0 : i32
          %dma_wait3A_190 = tpu.memref_slice %arg4[%mul3A_170, %dma_wait3A_189] : memref<320000x16xf32, #tpu.memory_space<hbm>> -> memref<128x16xf32, #tpu.memory_space<hbm>>
          tpu.wait_dma2 semaphore(%run_scoped3A : memref<!tpu.dma_semaphore, #tpu.memory_space<semaphore_mem>>) src(%dma_wait3A_190 : memref<128x16xf32, #tpu.memory_space<hbm>>) dst(%arg11 : memref<128x16xf32, #tpu.memory_space<vmem>>)
          tpu.yield
        }) : () -> ()
        %dma_start3A_171 = arith.constant 0 : i32
        %dma_start3A_172 = tpu.memref_slice %arg8[%mul3A_114, %dma_start3A_171] : memref<158x128xi32, #tpu.memory_space<vmem>> -> memref<1x128xi32, #tpu.memory_space<vmem>>
        %dma_start3A_173 = tpu.memref_squeeze %dma_start3A_172 : memref<1x128xi32, #tpu.memory_space<vmem>> -> memref<128xi32, #tpu.memory_space<vmem>>
        %dma_start3A_174 = arith.constant 0 : i32
        %dma_start3A_175 = arith.constant 0 : i32
        %dma_start3A_176 = tpu.memref_slice %arg14[%dma_start3A_174, %dma_start3A_175] : memref<10112x16xf32, #tpu.memory_space<vmem_shared>> -> memref<10112x16xf32, #tpu.memory_space<vmem_shared>>
        tpu.enqueue_indirect_dma source(%arg11 : memref<128x16xf32, #tpu.memory_space<vmem>>) target(%dma_start3A_176 : memref<10112x16xf32, #tpu.memory_space<vmem_shared>>) offsets(%dma_start3A_173 : memref<128xi32, #tpu.memory_space<vmem>>) semaphore(%arg18 : memref<!tpu.dma_semaphore, #tpu.memory_space<semaphore_mem>>) {add = true}
        %dma_start3A_177 = arith.constant 0 : i32
        %dma_start3A_178 = tpu.memref_slice %arg8[%mul3A_114, %dma_start3A_177] : memref<158x128xi32, #tpu.memory_space<vmem>> -> memref<1x128xi32, #tpu.memory_space<vmem>>
        %dma_start3A_179 = tpu.memref_squeeze %dma_start3A_178 : memref<1x128xi32, #tpu.memory_space<vmem>> -> memref<128xi32, #tpu.memory_space<vmem>>
        %dma_start3A_180 = arith.constant 0 : i32
        %dma_start3A_181 = arith.constant 0 : i32
        %dma_start3A_182 = tpu.memref_slice %arg15[%dma_start3A_180, %dma_start3A_181] : memref<10112x16xf32, #tpu.memory_space<vmem_shared>> -> memref<10112x16xf32, #tpu.memory_space<vmem_shared>>
        tpu.enqueue_indirect_dma source(%arg12 : memref<128x16xf32, #tpu.memory_space<vmem>>) target(%dma_start3A_182 : memref<10112x16xf32, #tpu.memory_space<vmem_shared>>) offsets(%dma_start3A_179 : memref<128xi32, #tpu.memory_space<vmem>>) semaphore(%arg18 : memref<!tpu.dma_semaphore, #tpu.memory_space<semaphore_mem>>) {add = true}
      } else {
      }
      %jit3A_135 = arith.constant 1 : i32
      %select_n3A_136 = arith.select %select_n3A_131, %jit3A_135, %while3A_112 : i32
      %add3A_137 = arith.constant 2 : i32
      %add3A_138 = arith.addi %mul3A_114, %add3A_137 : i32
      %lt3A_139 = arith.cmpi slt, %add3A_138, %select_n3A : i32
      %convert_element_type3A_140 = arith.extui %lt3A_139 : i1 to i32
      %cond3A_141 = arith.constant 0 : i32
      %cond3A_142 = arith.cmpi ne, %convert_element_type3A_140, %cond3A_141 : i32
      scf.if %cond3A_142 {
        %add3A_163 = arith.constant 2 : i32
        %add3A_164 = arith.addi %mul3A_114, %add3A_163 : i32
        %dma_start3A_165 = arith.constant 0 : i32
        %dma_start3A_166 = tpu.memref_slice %arg7[%add3A_164, %dma_start3A_165] : memref<158x128xi32, #tpu.memory_space<vmem>> -> memref<1x128xi32, #tpu.memory_space<vmem>>
        %dma_start3A_167 = tpu.memref_squeeze %dma_start3A_166 : memref<1x128xi32, #tpu.memory_space<vmem>> -> memref<128xi32, #tpu.memory_space<vmem>>
        %dma_start3A_168 = arith.constant 0 : i32
        %dma_start3A_169 = arith.constant 0 : i32
        %dma_start3A_170 = tpu.memref_slice %arg2[%dma_start3A_168, %dma_start3A_169] : memref<20000x64xf32, #tpu.memory_space<hbm>> -> memref<20000x64xf32, #tpu.memory_space<hbm>>
        tpu.enqueue_indirect_dma source(%dma_start3A_170 : memref<20000x64xf32, #tpu.memory_space<hbm>>) target(%arg9 : memref<128x64xf32, #tpu.memory_space<vmem>>) offsets(%dma_start3A_167 : memref<128xi32, #tpu.memory_space<vmem>>) semaphore(%arg16 : memref<!tpu.dma_semaphore, #tpu.memory_space<semaphore_mem>>)
      } else {
      }
      %add3A_143 = arith.constant 1 : i32
      %add3A_144 = arith.addi %mul3A_114, %add3A_143 : i32
      %dma_wait3A_145 = arith.constant 0 : i32
      %dma_wait3A_146 = tpu.memref_slice %arg7[%add3A_144, %dma_wait3A_145] : memref<158x128xi32, #tpu.memory_space<vmem>> -> memref<1x128xi32, #tpu.memory_space<vmem>>
      %dma_wait3A_147 = tpu.memref_squeeze %dma_wait3A_146 : memref<1x128xi32, #tpu.memory_space<vmem>> -> memref<128xi32, #tpu.memory_space<vmem>>
      %dma_wait3A_148 = arith.constant 0 : i32
      %dma_wait3A_149 = arith.constant 0 : i32
      %dma_wait3A_150 = tpu.memref_slice %arg2[%dma_wait3A_148, %dma_wait3A_149] : memref<20000x64xf32, #tpu.memory_space<hbm>> -> memref<20000x64xf32, #tpu.memory_space<hbm>>
      tpu.wait_indirect_dma semaphore(%arg17 : memref<!tpu.dma_semaphore, #tpu.memory_space<semaphore_mem>>) src(%dma_wait3A_150 : memref<20000x64xf32, #tpu.memory_space<hbm>>) dst(%arg10 : memref<128x64xf32, #tpu.memory_space<vmem>>)
      %add3A_151 = arith.constant 1 : i32
      %add3A_152 = arith.addi %mul3A_114, %add3A_151 : i32
      "tpu.region"() ({
        %run_scoped3A = tpu.sem_alloc : memref<!tpu.dma_semaphore, #tpu.memory_space<semaphore_mem>>
        %dma_start3A_163 = arith.constant 0 : i32
        %dma_start3A_164 = tpu.memref_slice %arg8[%add3A_152, %dma_start3A_163] : memref<158x128xi32, #tpu.memory_space<vmem>> -> memref<1x128xi32, #tpu.memory_space<vmem>>
        %dma_start3A_165 = tpu.memref_squeeze %dma_start3A_164 : memref<1x128xi32, #tpu.memory_space<vmem>> -> memref<128xi32, #tpu.memory_space<vmem>>
        %dma_start3A_166 = arith.constant 0 : i32
        %dma_start3A_167 = arith.constant 0 : i32
        %dma_start3A_168 = tpu.memref_slice %arg13[%dma_start3A_166, %dma_start3A_167] : memref<10112x64xf32, #tpu.memory_space<vmem_shared>> -> memref<10112x64xf32, #tpu.memory_space<vmem_shared>>
        tpu.enqueue_indirect_dma source(%arg10 : memref<128x64xf32, #tpu.memory_space<vmem>>) target(%dma_start3A_168 : memref<10112x64xf32, #tpu.memory_space<vmem_shared>>) offsets(%dma_start3A_165 : memref<128xi32, #tpu.memory_space<vmem>>) semaphore(%run_scoped3A : memref<!tpu.dma_semaphore, #tpu.memory_space<semaphore_mem>>) {add = true}
        %dma_wait3A_169 = arith.constant 0 : i32
        %dma_wait3A_170 = tpu.memref_slice %arg8[%add3A_152, %dma_wait3A_169] : memref<158x128xi32, #tpu.memory_space<vmem>> -> memref<1x128xi32, #tpu.memory_space<vmem>>
        %dma_wait3A_171 = tpu.memref_squeeze %dma_wait3A_170 : memref<1x128xi32, #tpu.memory_space<vmem>> -> memref<128xi32, #tpu.memory_space<vmem>>
        %dma_wait3A_172 = arith.constant 0 : i32
        %dma_wait3A_173 = arith.constant 0 : i32
        %dma_wait3A_174 = tpu.memref_slice %arg13[%dma_wait3A_172, %dma_wait3A_173] : memref<10112x64xf32, #tpu.memory_space<vmem_shared>> -> memref<10112x64xf32, #tpu.memory_space<vmem_shared>>
        tpu.wait_indirect_dma semaphore(%run_scoped3A : memref<!tpu.dma_semaphore, #tpu.memory_space<semaphore_mem>>) src(%arg10 : memref<128x64xf32, #tpu.memory_space<vmem>>) dst(%dma_wait3A_174 : memref<10112x64xf32, #tpu.memory_space<vmem_shared>>)
        tpu.yield
      }) : () -> ()
      %lt3A_153 = arith.constant 79 : i32
      %lt3A_154 = arith.cmpi slt, %add3A_152, %lt3A_153 : i32
      %ge3A_155 = arith.constant 79 : i32
      %ge3A_156 = arith.cmpi sge, %add3A_152, %ge3A_155 : i32
      %select_n3A_157 = arith.select %eq3A_61, %lt3A_154, %ge3A_156 : i1
      %convert_element_type3A_158 = arith.extui %select_n3A_157 : i1 to i32
      %cond3A_159 = arith.constant 0 : i32
      %cond3A_160 = arith.cmpi ne, %convert_element_type3A_158, %cond3A_159 : i32
      scf.if %cond3A_160 {
        %gt3A_163 = arith.constant 0 : i32
        %gt3A_164 = arith.cmpi sgt, %select_n3A_136, %gt3A_163 : i32
        %convert_element_type3A_165 = arith.extui %gt3A_164 : i1 to i32
        %cond3A_166 = arith.constant 0 : i32
        %cond3A_167 = arith.cmpi ne, %convert_element_type3A_165, %cond3A_166 : i32
        scf.if %cond3A_167 {
          %dma_wait3A_183 = arith.constant 0 : i32
          %dma_wait3A_184 = tpu.memref_slice %arg8[%add3A_152, %dma_wait3A_183] : memref<158x128xi32, #tpu.memory_space<vmem>> -> memref<1x128xi32, #tpu.memory_space<vmem>>
          %dma_wait3A_185 = tpu.memref_squeeze %dma_wait3A_184 : memref<1x128xi32, #tpu.memory_space<vmem>> -> memref<128xi32, #tpu.memory_space<vmem>>
          %dma_wait3A_186 = arith.constant 0 : i32
          %dma_wait3A_187 = arith.constant 0 : i32
          %dma_wait3A_188 = tpu.memref_slice %arg14[%dma_wait3A_186, %dma_wait3A_187] : memref<10112x16xf32, #tpu.memory_space<vmem_shared>> -> memref<10112x16xf32, #tpu.memory_space<vmem_shared>>
          tpu.wait_indirect_dma semaphore(%arg18 : memref<!tpu.dma_semaphore, #tpu.memory_space<semaphore_mem>>) src(%arg11 : memref<128x16xf32, #tpu.memory_space<vmem>>) dst(%dma_wait3A_188 : memref<10112x16xf32, #tpu.memory_space<vmem_shared>>)
          %dma_wait3A_189 = arith.constant 0 : i32
          %dma_wait3A_190 = tpu.memref_slice %arg8[%add3A_152, %dma_wait3A_189] : memref<158x128xi32, #tpu.memory_space<vmem>> -> memref<1x128xi32, #tpu.memory_space<vmem>>
          %dma_wait3A_191 = tpu.memref_squeeze %dma_wait3A_190 : memref<1x128xi32, #tpu.memory_space<vmem>> -> memref<128xi32, #tpu.memory_space<vmem>>
          %dma_wait3A_192 = arith.constant 0 : i32
          %dma_wait3A_193 = arith.constant 0 : i32
          %dma_wait3A_194 = tpu.memref_slice %arg15[%dma_wait3A_192, %dma_wait3A_193] : memref<10112x16xf32, #tpu.memory_space<vmem_shared>> -> memref<10112x16xf32, #tpu.memory_space<vmem_shared>>
          tpu.wait_indirect_dma semaphore(%arg18 : memref<!tpu.dma_semaphore, #tpu.memory_space<semaphore_mem>>) src(%arg12 : memref<128x16xf32, #tpu.memory_space<vmem>>) dst(%dma_wait3A_194 : memref<10112x16xf32, #tpu.memory_space<vmem_shared>>)
        } else {
        }
        %add3A_168 = arith.addi %mul3A_39, %add3A_152 : i32
        %mul3A_169 = arith.constant 128 : i32
        %mul3A_170 = arith.muli %add3A_168, %mul3A_169 : i32
        "tpu.region"() ({
          %run_scoped3A = tpu.sem_alloc : memref<!tpu.dma_semaphore, #tpu.memory_space<semaphore_mem>>
          %dma_start3A_183 = arith.constant 0 : i32
          %dma_start3A_184 = tpu.memref_slice %arg4[%mul3A_170, %dma_start3A_183] : memref<320000x16xf32, #tpu.memory_space<hbm>> -> memref<128x16xf32, #tpu.memory_space<hbm>>
          %dma_start3A_185 = arith.constant 0 : i32
          %dma_start3A_186 = tpu.memref_slice %arg4[%mul3A_170, %dma_start3A_185] : memref<320000x16xf32, #tpu.memory_space<hbm>> -> memref<128x16xf32, #tpu.memory_space<hbm>>
          tpu.enqueue_dma source(%dma_start3A_186 : memref<128x16xf32, #tpu.memory_space<hbm>>) target(%arg11 : memref<128x16xf32, #tpu.memory_space<vmem>>) target_semaphore(%run_scoped3A : memref<!tpu.dma_semaphore, #tpu.memory_space<semaphore_mem>>)
          %dma_wait3A_187 = arith.constant 0 : i32
          %dma_wait3A_188 = tpu.memref_slice %arg4[%mul3A_170, %dma_wait3A_187] : memref<320000x16xf32, #tpu.memory_space<hbm>> -> memref<128x16xf32, #tpu.memory_space<hbm>>
          %dma_wait3A_189 = arith.constant 0 : i32
          %dma_wait3A_190 = tpu.memref_slice %arg4[%mul3A_170, %dma_wait3A_189] : memref<320000x16xf32, #tpu.memory_space<hbm>> -> memref<128x16xf32, #tpu.memory_space<hbm>>
          tpu.wait_dma2 semaphore(%run_scoped3A : memref<!tpu.dma_semaphore, #tpu.memory_space<semaphore_mem>>) src(%dma_wait3A_190 : memref<128x16xf32, #tpu.memory_space<hbm>>) dst(%arg11 : memref<128x16xf32, #tpu.memory_space<vmem>>)
          tpu.yield
        }) : () -> ()
        %dma_start3A_171 = arith.constant 0 : i32
        %dma_start3A_172 = tpu.memref_slice %arg8[%add3A_152, %dma_start3A_171] : memref<158x128xi32, #tpu.memory_space<vmem>> -> memref<1x128xi32, #tpu.memory_space<vmem>>
        %dma_start3A_173 = tpu.memref_squeeze %dma_start3A_172 : memref<1x128xi32, #tpu.memory_space<vmem>> -> memref<128xi32, #tpu.memory_space<vmem>>
        %dma_start3A_174 = arith.constant 0 : i32
        %dma_start3A_175 = arith.constant 0 : i32
        %dma_start3A_176 = tpu.memref_slice %arg14[%dma_start3A_174, %dma_start3A_175] : memref<10112x16xf32, #tpu.memory_space<vmem_shared>> -> memref<10112x16xf32, #tpu.memory_space<vmem_shared>>
        tpu.enqueue_indirect_dma source(%arg11 : memref<128x16xf32, #tpu.memory_space<vmem>>) target(%dma_start3A_176 : memref<10112x16xf32, #tpu.memory_space<vmem_shared>>) offsets(%dma_start3A_173 : memref<128xi32, #tpu.memory_space<vmem>>) semaphore(%arg18 : memref<!tpu.dma_semaphore, #tpu.memory_space<semaphore_mem>>) {add = true}
        %dma_start3A_177 = arith.constant 0 : i32
        %dma_start3A_178 = tpu.memref_slice %arg8[%add3A_152, %dma_start3A_177] : memref<158x128xi32, #tpu.memory_space<vmem>> -> memref<1x128xi32, #tpu.memory_space<vmem>>
        %dma_start3A_179 = tpu.memref_squeeze %dma_start3A_178 : memref<1x128xi32, #tpu.memory_space<vmem>> -> memref<128xi32, #tpu.memory_space<vmem>>
        %dma_start3A_180 = arith.constant 0 : i32
        %dma_start3A_181 = arith.constant 0 : i32
        %dma_start3A_182 = tpu.memref_slice %arg15[%dma_start3A_180, %dma_start3A_181] : memref<10112x16xf32, #tpu.memory_space<vmem_shared>> -> memref<10112x16xf32, #tpu.memory_space<vmem_shared>>
        tpu.enqueue_indirect_dma source(%arg12 : memref<128x16xf32, #tpu.memory_space<vmem>>) target(%dma_start3A_182 : memref<10112x16xf32, #tpu.memory_space<vmem_shared>>) offsets(%dma_start3A_179 : memref<128xi32, #tpu.memory_space<vmem>>) semaphore(%arg18 : memref<!tpu.dma_semaphore, #tpu.memory_space<semaphore_mem>>) {add = true}
      } else {
      }
      %jit3A_161 = arith.constant 1 : i32
      %select_n3A_162 = arith.select %select_n3A_157, %jit3A_161, %select_n3A_136 : i32
      scf.yield %select_n3A_162 : i32
    }
    %while3A_96 = arith.constant 1 : i32
    %while3A_97 = scf.for %while3A_111 = %while3A_93 to %while3A_89 step %while3A_96 iter_args(%while3A_112 = %while3A_95) -> (i32)  : i32 {
      %mul3A_113 = arith.constant 2 : i32
      %mul3A_114 = arith.muli %while3A_111, %mul3A_113 : i32
      %add3A_115 = arith.constant 1 : i32
      %add3A_116 = arith.addi %mul3A_114, %add3A_115 : i32
      %dma_start3A_117 = arith.constant 0 : i32
      %dma_start3A_118 = tpu.memref_slice %arg7[%add3A_116, %dma_start3A_117] : memref<158x128xi32, #tpu.memory_space<vmem>> -> memref<1x128xi32, #tpu.memory_space<vmem>>
      %dma_start3A_119 = tpu.memref_squeeze %dma_start3A_118 : memref<1x128xi32, #tpu.memory_space<vmem>> -> memref<128xi32, #tpu.memory_space<vmem>>
      %dma_start3A_120 = arith.constant 0 : i32
      %dma_start3A_121 = arith.constant 0 : i32
      %dma_start3A_122 = tpu.memref_slice %arg2[%dma_start3A_120, %dma_start3A_121] : memref<20000x64xf32, #tpu.memory_space<hbm>> -> memref<20000x64xf32, #tpu.memory_space<hbm>>
      tpu.enqueue_indirect_dma source(%dma_start3A_122 : memref<20000x64xf32, #tpu.memory_space<hbm>>) target(%arg10 : memref<128x64xf32, #tpu.memory_space<vmem>>) offsets(%dma_start3A_119 : memref<128xi32, #tpu.memory_space<vmem>>) semaphore(%arg17 : memref<!tpu.dma_semaphore, #tpu.memory_space<semaphore_mem>>)
      %dma_wait3A = arith.constant 0 : i32
      %dma_wait3A_123 = tpu.memref_slice %arg7[%mul3A_114, %dma_wait3A] : memref<158x128xi32, #tpu.memory_space<vmem>> -> memref<1x128xi32, #tpu.memory_space<vmem>>
      %dma_wait3A_124 = tpu.memref_squeeze %dma_wait3A_123 : memref<1x128xi32, #tpu.memory_space<vmem>> -> memref<128xi32, #tpu.memory_space<vmem>>
      %dma_wait3A_125 = arith.constant 0 : i32
      %dma_wait3A_126 = arith.constant 0 : i32
      %dma_wait3A_127 = tpu.memref_slice %arg2[%dma_wait3A_125, %dma_wait3A_126] : memref<20000x64xf32, #tpu.memory_space<hbm>> -> memref<20000x64xf32, #tpu.memory_space<hbm>>
      tpu.wait_indirect_dma semaphore(%arg16 : memref<!tpu.dma_semaphore, #tpu.memory_space<semaphore_mem>>) src(%dma_wait3A_127 : memref<20000x64xf32, #tpu.memory_space<hbm>>) dst(%arg9 : memref<128x64xf32, #tpu.memory_space<vmem>>)
      "tpu.region"() ({
        %run_scoped3A = tpu.sem_alloc : memref<!tpu.dma_semaphore, #tpu.memory_space<semaphore_mem>>
        %dma_start3A_163 = arith.constant 0 : i32
        %dma_start3A_164 = tpu.memref_slice %arg8[%mul3A_114, %dma_start3A_163] : memref<158x128xi32, #tpu.memory_space<vmem>> -> memref<1x128xi32, #tpu.memory_space<vmem>>
        %dma_start3A_165 = tpu.memref_squeeze %dma_start3A_164 : memref<1x128xi32, #tpu.memory_space<vmem>> -> memref<128xi32, #tpu.memory_space<vmem>>
        %dma_start3A_166 = arith.constant 0 : i32
        %dma_start3A_167 = arith.constant 0 : i32
        %dma_start3A_168 = tpu.memref_slice %arg13[%dma_start3A_166, %dma_start3A_167] : memref<10112x64xf32, #tpu.memory_space<vmem_shared>> -> memref<10112x64xf32, #tpu.memory_space<vmem_shared>>
        tpu.enqueue_indirect_dma source(%arg9 : memref<128x64xf32, #tpu.memory_space<vmem>>) target(%dma_start3A_168 : memref<10112x64xf32, #tpu.memory_space<vmem_shared>>) offsets(%dma_start3A_165 : memref<128xi32, #tpu.memory_space<vmem>>) semaphore(%run_scoped3A : memref<!tpu.dma_semaphore, #tpu.memory_space<semaphore_mem>>) {add = true}
        %dma_wait3A_169 = arith.constant 0 : i32
        %dma_wait3A_170 = tpu.memref_slice %arg8[%mul3A_114, %dma_wait3A_169] : memref<158x128xi32, #tpu.memory_space<vmem>> -> memref<1x128xi32, #tpu.memory_space<vmem>>
        %dma_wait3A_171 = tpu.memref_squeeze %dma_wait3A_170 : memref<1x128xi32, #tpu.memory_space<vmem>> -> memref<128xi32, #tpu.memory_space<vmem>>
        %dma_wait3A_172 = arith.constant 0 : i32
        %dma_wait3A_173 = arith.constant 0 : i32
        %dma_wait3A_174 = tpu.memref_slice %arg13[%dma_wait3A_172, %dma_wait3A_173] : memref<10112x64xf32, #tpu.memory_space<vmem_shared>> -> memref<10112x64xf32, #tpu.memory_space<vmem_shared>>
        tpu.wait_indirect_dma semaphore(%run_scoped3A : memref<!tpu.dma_semaphore, #tpu.memory_space<semaphore_mem>>) src(%arg9 : memref<128x64xf32, #tpu.memory_space<vmem>>) dst(%dma_wait3A_174 : memref<10112x64xf32, #tpu.memory_space<vmem_shared>>)
        tpu.yield
      }) : () -> ()
      %lt3A_128 = arith.constant 79 : i32
      %lt3A_129 = arith.cmpi slt, %mul3A_114, %lt3A_128 : i32
      %ge3A = arith.constant 79 : i32
      %ge3A_130 = arith.cmpi sge, %mul3A_114, %ge3A : i32
      %select_n3A_131 = arith.select %eq3A_61, %lt3A_129, %ge3A_130 : i1
      %convert_element_type3A_132 = arith.extui %select_n3A_131 : i1 to i32
      %cond3A_133 = arith.constant 0 : i32
      %cond3A_134 = arith.cmpi ne, %convert_element_type3A_132, %cond3A_133 : i32
      scf.if %cond3A_134 {
        %gt3A_163 = arith.constant 0 : i32
        %gt3A_164 = arith.cmpi sgt, %while3A_112, %gt3A_163 : i32
        %convert_element_type3A_165 = arith.extui %gt3A_164 : i1 to i32
        %cond3A_166 = arith.constant 0 : i32
        %cond3A_167 = arith.cmpi ne, %convert_element_type3A_165, %cond3A_166 : i32
        scf.if %cond3A_167 {
          %dma_wait3A_183 = arith.constant 0 : i32
          %dma_wait3A_184 = tpu.memref_slice %arg8[%mul3A_114, %dma_wait3A_183] : memref<158x128xi32, #tpu.memory_space<vmem>> -> memref<1x128xi32, #tpu.memory_space<vmem>>
          %dma_wait3A_185 = tpu.memref_squeeze %dma_wait3A_184 : memref<1x128xi32, #tpu.memory_space<vmem>> -> memref<128xi32, #tpu.memory_space<vmem>>
          %dma_wait3A_186 = arith.constant 0 : i32
          %dma_wait3A_187 = arith.constant 0 : i32
          %dma_wait3A_188 = tpu.memref_slice %arg14[%dma_wait3A_186, %dma_wait3A_187] : memref<10112x16xf32, #tpu.memory_space<vmem_shared>> -> memref<10112x16xf32, #tpu.memory_space<vmem_shared>>
          tpu.wait_indirect_dma semaphore(%arg18 : memref<!tpu.dma_semaphore, #tpu.memory_space<semaphore_mem>>) src(%arg11 : memref<128x16xf32, #tpu.memory_space<vmem>>) dst(%dma_wait3A_188 : memref<10112x16xf32, #tpu.memory_space<vmem_shared>>)
          %dma_wait3A_189 = arith.constant 0 : i32
          %dma_wait3A_190 = tpu.memref_slice %arg8[%mul3A_114, %dma_wait3A_189] : memref<158x128xi32, #tpu.memory_space<vmem>> -> memref<1x128xi32, #tpu.memory_space<vmem>>
          %dma_wait3A_191 = tpu.memref_squeeze %dma_wait3A_190 : memref<1x128xi32, #tpu.memory_space<vmem>> -> memref<128xi32, #tpu.memory_space<vmem>>
          %dma_wait3A_192 = arith.constant 0 : i32
          %dma_wait3A_193 = arith.constant 0 : i32
          %dma_wait3A_194 = tpu.memref_slice %arg15[%dma_wait3A_192, %dma_wait3A_193] : memref<10112x16xf32, #tpu.memory_space<vmem_shared>> -> memref<10112x16xf32, #tpu.memory_space<vmem_shared>>
          tpu.wait_indirect_dma semaphore(%arg18 : memref<!tpu.dma_semaphore, #tpu.memory_space<semaphore_mem>>) src(%arg12 : memref<128x16xf32, #tpu.memory_space<vmem>>) dst(%dma_wait3A_194 : memref<10112x16xf32, #tpu.memory_space<vmem_shared>>)
        } else {
        }
        %add3A_168 = arith.addi %mul3A_39, %mul3A_114 : i32
        %mul3A_169 = arith.constant 128 : i32
        %mul3A_170 = arith.muli %add3A_168, %mul3A_169 : i32
        "tpu.region"() ({
          %run_scoped3A = tpu.sem_alloc : memref<!tpu.dma_semaphore, #tpu.memory_space<semaphore_mem>>
          %dma_start3A_183 = arith.constant 0 : i32
          %dma_start3A_184 = tpu.memref_slice %arg4[%mul3A_170, %dma_start3A_183] : memref<320000x16xf32, #tpu.memory_space<hbm>> -> memref<128x16xf32, #tpu.memory_space<hbm>>
          %dma_start3A_185 = arith.constant 0 : i32
          %dma_start3A_186 = tpu.memref_slice %arg4[%mul3A_170, %dma_start3A_185] : memref<320000x16xf32, #tpu.memory_space<hbm>> -> memref<128x16xf32, #tpu.memory_space<hbm>>
          tpu.enqueue_dma source(%dma_start3A_186 : memref<128x16xf32, #tpu.memory_space<hbm>>) target(%arg11 : memref<128x16xf32, #tpu.memory_space<vmem>>) target_semaphore(%run_scoped3A : memref<!tpu.dma_semaphore, #tpu.memory_space<semaphore_mem>>)
          %dma_wait3A_187 = arith.constant 0 : i32
          %dma_wait3A_188 = tpu.memref_slice %arg4[%mul3A_170, %dma_wait3A_187] : memref<320000x16xf32, #tpu.memory_space<hbm>> -> memref<128x16xf32, #tpu.memory_space<hbm>>
          %dma_wait3A_189 = arith.constant 0 : i32
          %dma_wait3A_190 = tpu.memref_slice %arg4[%mul3A_170, %dma_wait3A_189] : memref<320000x16xf32, #tpu.memory_space<hbm>> -> memref<128x16xf32, #tpu.memory_space<hbm>>
          tpu.wait_dma2 semaphore(%run_scoped3A : memref<!tpu.dma_semaphore, #tpu.memory_space<semaphore_mem>>) src(%dma_wait3A_190 : memref<128x16xf32, #tpu.memory_space<hbm>>) dst(%arg11 : memref<128x16xf32, #tpu.memory_space<vmem>>)
          tpu.yield
        }) : () -> ()
        %dma_start3A_171 = arith.constant 0 : i32
        %dma_start3A_172 = tpu.memref_slice %arg8[%mul3A_114, %dma_start3A_171] : memref<158x128xi32, #tpu.memory_space<vmem>> -> memref<1x128xi32, #tpu.memory_space<vmem>>
        %dma_start3A_173 = tpu.memref_squeeze %dma_start3A_172 : memref<1x128xi32, #tpu.memory_space<vmem>> -> memref<128xi32, #tpu.memory_space<vmem>>
        %dma_start3A_174 = arith.constant 0 : i32
        %dma_start3A_175 = arith.constant 0 : i32
        %dma_start3A_176 = tpu.memref_slice %arg14[%dma_start3A_174, %dma_start3A_175] : memref<10112x16xf32, #tpu.memory_space<vmem_shared>> -> memref<10112x16xf32, #tpu.memory_space<vmem_shared>>
        tpu.enqueue_indirect_dma source(%arg11 : memref<128x16xf32, #tpu.memory_space<vmem>>) target(%dma_start3A_176 : memref<10112x16xf32, #tpu.memory_space<vmem_shared>>) offsets(%dma_start3A_173 : memref<128xi32, #tpu.memory_space<vmem>>) semaphore(%arg18 : memref<!tpu.dma_semaphore, #tpu.memory_space<semaphore_mem>>) {add = true}
        %dma_start3A_177 = arith.constant 0 : i32
        %dma_start3A_178 = tpu.memref_slice %arg8[%mul3A_114, %dma_start3A_177] : memref<158x128xi32, #tpu.memory_space<vmem>> -> memref<1x128xi32, #tpu.memory_space<vmem>>
        %dma_start3A_179 = tpu.memref_squeeze %dma_start3A_178 : memref<1x128xi32, #tpu.memory_space<vmem>> -> memref<128xi32, #tpu.memory_space<vmem>>
        %dma_start3A_180 = arith.constant 0 : i32
        %dma_start3A_181 = arith.constant 0 : i32
        %dma_start3A_182 = tpu.memref_slice %arg15[%dma_start3A_180, %dma_start3A_181] : memref<10112x16xf32, #tpu.memory_space<vmem_shared>> -> memref<10112x16xf32, #tpu.memory_space<vmem_shared>>
        tpu.enqueue_indirect_dma source(%arg12 : memref<128x16xf32, #tpu.memory_space<vmem>>) target(%dma_start3A_182 : memref<10112x16xf32, #tpu.memory_space<vmem_shared>>) offsets(%dma_start3A_179 : memref<128xi32, #tpu.memory_space<vmem>>) semaphore(%arg18 : memref<!tpu.dma_semaphore, #tpu.memory_space<semaphore_mem>>) {add = true}
      } else {
      }
      %jit3A_135 = arith.constant 1 : i32
      %select_n3A_136 = arith.select %select_n3A_131, %jit3A_135, %while3A_112 : i32
      %add3A_137 = arith.constant 2 : i32
      %add3A_138 = arith.addi %mul3A_114, %add3A_137 : i32
      %lt3A_139 = arith.cmpi slt, %add3A_138, %select_n3A : i32
      %convert_element_type3A_140 = arith.extui %lt3A_139 : i1 to i32
      %cond3A_141 = arith.constant 0 : i32
      %cond3A_142 = arith.cmpi ne, %convert_element_type3A_140, %cond3A_141 : i32
      scf.if %cond3A_142 {
        %add3A_163 = arith.constant 2 : i32
        %add3A_164 = arith.addi %mul3A_114, %add3A_163 : i32
        %dma_start3A_165 = arith.constant 0 : i32
        %dma_start3A_166 = tpu.memref_slice %arg7[%add3A_164, %dma_start3A_165] : memref<158x128xi32, #tpu.memory_space<vmem>> -> memref<1x128xi32, #tpu.memory_space<vmem>>
        %dma_start3A_167 = tpu.memref_squeeze %dma_start3A_166 : memref<1x128xi32, #tpu.memory_space<vmem>> -> memref<128xi32, #tpu.memory_space<vmem>>
        %dma_start3A_168 = arith.constant 0 : i32
        %dma_start3A_169 = arith.constant 0 : i32
        %dma_start3A_170 = tpu.memref_slice %arg2[%dma_start3A_168, %dma_start3A_169] : memref<20000x64xf32, #tpu.memory_space<hbm>> -> memref<20000x64xf32, #tpu.memory_space<hbm>>
        tpu.enqueue_indirect_dma source(%dma_start3A_170 : memref<20000x64xf32, #tpu.memory_space<hbm>>) target(%arg9 : memref<128x64xf32, #tpu.memory_space<vmem>>) offsets(%dma_start3A_167 : memref<128xi32, #tpu.memory_space<vmem>>) semaphore(%arg16 : memref<!tpu.dma_semaphore, #tpu.memory_space<semaphore_mem>>)
      } else {
      }
      %add3A_143 = arith.constant 1 : i32
      %add3A_144 = arith.addi %mul3A_114, %add3A_143 : i32
      %dma_wait3A_145 = arith.constant 0 : i32
      %dma_wait3A_146 = tpu.memref_slice %arg7[%add3A_144, %dma_wait3A_145] : memref<158x128xi32, #tpu.memory_space<vmem>> -> memref<1x128xi32, #tpu.memory_space<vmem>>
      %dma_wait3A_147 = tpu.memref_squeeze %dma_wait3A_146 : memref<1x128xi32, #tpu.memory_space<vmem>> -> memref<128xi32, #tpu.memory_space<vmem>>
      %dma_wait3A_148 = arith.constant 0 : i32
      %dma_wait3A_149 = arith.constant 0 : i32
      %dma_wait3A_150 = tpu.memref_slice %arg2[%dma_wait3A_148, %dma_wait3A_149] : memref<20000x64xf32, #tpu.memory_space<hbm>> -> memref<20000x64xf32, #tpu.memory_space<hbm>>
      tpu.wait_indirect_dma semaphore(%arg17 : memref<!tpu.dma_semaphore, #tpu.memory_space<semaphore_mem>>) src(%dma_wait3A_150 : memref<20000x64xf32, #tpu.memory_space<hbm>>) dst(%arg10 : memref<128x64xf32, #tpu.memory_space<vmem>>)
      %add3A_151 = arith.constant 1 : i32
      %add3A_152 = arith.addi %mul3A_114, %add3A_151 : i32
      "tpu.region"() ({
        %run_scoped3A = tpu.sem_alloc : memref<!tpu.dma_semaphore, #tpu.memory_space<semaphore_mem>>
        %dma_start3A_163 = arith.constant 0 : i32
        %dma_start3A_164 = tpu.memref_slice %arg8[%add3A_152, %dma_start3A_163] : memref<158x128xi32, #tpu.memory_space<vmem>> -> memref<1x128xi32, #tpu.memory_space<vmem>>
        %dma_start3A_165 = tpu.memref_squeeze %dma_start3A_164 : memref<1x128xi32, #tpu.memory_space<vmem>> -> memref<128xi32, #tpu.memory_space<vmem>>
        %dma_start3A_166 = arith.constant 0 : i32
        %dma_start3A_167 = arith.constant 0 : i32
        %dma_start3A_168 = tpu.memref_slice %arg13[%dma_start3A_166, %dma_start3A_167] : memref<10112x64xf32, #tpu.memory_space<vmem_shared>> -> memref<10112x64xf32, #tpu.memory_space<vmem_shared>>
        tpu.enqueue_indirect_dma source(%arg10 : memref<128x64xf32, #tpu.memory_space<vmem>>) target(%dma_start3A_168 : memref<10112x64xf32, #tpu.memory_space<vmem_shared>>) offsets(%dma_start3A_165 : memref<128xi32, #tpu.memory_space<vmem>>) semaphore(%run_scoped3A : memref<!tpu.dma_semaphore, #tpu.memory_space<semaphore_mem>>) {add = true}
        %dma_wait3A_169 = arith.constant 0 : i32
        %dma_wait3A_170 = tpu.memref_slice %arg8[%add3A_152, %dma_wait3A_169] : memref<158x128xi32, #tpu.memory_space<vmem>> -> memref<1x128xi32, #tpu.memory_space<vmem>>
        %dma_wait3A_171 = tpu.memref_squeeze %dma_wait3A_170 : memref<1x128xi32, #tpu.memory_space<vmem>> -> memref<128xi32, #tpu.memory_space<vmem>>
        %dma_wait3A_172 = arith.constant 0 : i32
        %dma_wait3A_173 = arith.constant 0 : i32
        %dma_wait3A_174 = tpu.memref_slice %arg13[%dma_wait3A_172, %dma_wait3A_173] : memref<10112x64xf32, #tpu.memory_space<vmem_shared>> -> memref<10112x64xf32, #tpu.memory_space<vmem_shared>>
        tpu.wait_indirect_dma semaphore(%run_scoped3A : memref<!tpu.dma_semaphore, #tpu.memory_space<semaphore_mem>>) src(%arg10 : memref<128x64xf32, #tpu.memory_space<vmem>>) dst(%dma_wait3A_174 : memref<10112x64xf32, #tpu.memory_space<vmem_shared>>)
        tpu.yield
      }) : () -> ()
      %lt3A_153 = arith.constant 79 : i32
      %lt3A_154 = arith.cmpi slt, %add3A_152, %lt3A_153 : i32
      %ge3A_155 = arith.constant 79 : i32
      %ge3A_156 = arith.cmpi sge, %add3A_152, %ge3A_155 : i32
      %select_n3A_157 = arith.select %eq3A_61, %lt3A_154, %ge3A_156 : i1
      %convert_element_type3A_158 = arith.extui %select_n3A_157 : i1 to i32
      %cond3A_159 = arith.constant 0 : i32
      %cond3A_160 = arith.cmpi ne, %convert_element_type3A_158, %cond3A_159 : i32
      scf.if %cond3A_160 {
        %gt3A_163 = arith.constant 0 : i32
        %gt3A_164 = arith.cmpi sgt, %select_n3A_136, %gt3A_163 : i32
        %convert_element_type3A_165 = arith.extui %gt3A_164 : i1 to i32
        %cond3A_166 = arith.constant 0 : i32
        %cond3A_167 = arith.cmpi ne, %convert_element_type3A_165, %cond3A_166 : i32
        scf.if %cond3A_167 {
          %dma_wait3A_183 = arith.constant 0 : i32
          %dma_wait3A_184 = tpu.memref_slice %arg8[%add3A_152, %dma_wait3A_183] : memref<158x128xi32, #tpu.memory_space<vmem>> -> memref<1x128xi32, #tpu.memory_space<vmem>>
          %dma_wait3A_185 = tpu.memref_squeeze %dma_wait3A_184 : memref<1x128xi32, #tpu.memory_space<vmem>> -> memref<128xi32, #tpu.memory_space<vmem>>
          %dma_wait3A_186 = arith.constant 0 : i32
          %dma_wait3A_187 = arith.constant 0 : i32
          %dma_wait3A_188 = tpu.memref_slice %arg14[%dma_wait3A_186, %dma_wait3A_187] : memref<10112x16xf32, #tpu.memory_space<vmem_shared>> -> memref<10112x16xf32, #tpu.memory_space<vmem_shared>>
          tpu.wait_indirect_dma semaphore(%arg18 : memref<!tpu.dma_semaphore, #tpu.memory_space<semaphore_mem>>) src(%arg11 : memref<128x16xf32, #tpu.memory_space<vmem>>) dst(%dma_wait3A_188 : memref<10112x16xf32, #tpu.memory_space<vmem_shared>>)
          %dma_wait3A_189 = arith.constant 0 : i32
          %dma_wait3A_190 = tpu.memref_slice %arg8[%add3A_152, %dma_wait3A_189] : memref<158x128xi32, #tpu.memory_space<vmem>> -> memref<1x128xi32, #tpu.memory_space<vmem>>
          %dma_wait3A_191 = tpu.memref_squeeze %dma_wait3A_190 : memref<1x128xi32, #tpu.memory_space<vmem>> -> memref<128xi32, #tpu.memory_space<vmem>>
          %dma_wait3A_192 = arith.constant 0 : i32
          %dma_wait3A_193 = arith.constant 0 : i32
          %dma_wait3A_194 = tpu.memref_slice %arg15[%dma_wait3A_192, %dma_wait3A_193] : memref<10112x16xf32, #tpu.memory_space<vmem_shared>> -> memref<10112x16xf32, #tpu.memory_space<vmem_shared>>
          tpu.wait_indirect_dma semaphore(%arg18 : memref<!tpu.dma_semaphore, #tpu.memory_space<semaphore_mem>>) src(%arg12 : memref<128x16xf32, #tpu.memory_space<vmem>>) dst(%dma_wait3A_194 : memref<10112x16xf32, #tpu.memory_space<vmem_shared>>)
        } else {
        }
        %add3A_168 = arith.addi %mul3A_39, %add3A_152 : i32
        %mul3A_169 = arith.constant 128 : i32
        %mul3A_170 = arith.muli %add3A_168, %mul3A_169 : i32
        "tpu.region"() ({
          %run_scoped3A = tpu.sem_alloc : memref<!tpu.dma_semaphore, #tpu.memory_space<semaphore_mem>>
          %dma_start3A_183 = arith.constant 0 : i32
          %dma_start3A_184 = tpu.memref_slice %arg4[%mul3A_170, %dma_start3A_183] : memref<320000x16xf32, #tpu.memory_space<hbm>> -> memref<128x16xf32, #tpu.memory_space<hbm>>
          %dma_start3A_185 = arith.constant 0 : i32
          %dma_start3A_186 = tpu.memref_slice %arg4[%mul3A_170, %dma_start3A_185] : memref<320000x16xf32, #tpu.memory_space<hbm>> -> memref<128x16xf32, #tpu.memory_space<hbm>>
          tpu.enqueue_dma source(%dma_start3A_186 : memref<128x16xf32, #tpu.memory_space<hbm>>) target(%arg11 : memref<128x16xf32, #tpu.memory_space<vmem>>) target_semaphore(%run_scoped3A : memref<!tpu.dma_semaphore, #tpu.memory_space<semaphore_mem>>)
          %dma_wait3A_187 = arith.constant 0 : i32
          %dma_wait3A_188 = tpu.memref_slice %arg4[%mul3A_170, %dma_wait3A_187] : memref<320000x16xf32, #tpu.memory_space<hbm>> -> memref<128x16xf32, #tpu.memory_space<hbm>>
          %dma_wait3A_189 = arith.constant 0 : i32
          %dma_wait3A_190 = tpu.memref_slice %arg4[%mul3A_170, %dma_wait3A_189] : memref<320000x16xf32, #tpu.memory_space<hbm>> -> memref<128x16xf32, #tpu.memory_space<hbm>>
          tpu.wait_dma2 semaphore(%run_scoped3A : memref<!tpu.dma_semaphore, #tpu.memory_space<semaphore_mem>>) src(%dma_wait3A_190 : memref<128x16xf32, #tpu.memory_space<hbm>>) dst(%arg11 : memref<128x16xf32, #tpu.memory_space<vmem>>)
          tpu.yield
        }) : () -> ()
        %dma_start3A_171 = arith.constant 0 : i32
        %dma_start3A_172 = tpu.memref_slice %arg8[%add3A_152, %dma_start3A_171] : memref<158x128xi32, #tpu.memory_space<vmem>> -> memref<1x128xi32, #tpu.memory_space<vmem>>
        %dma_start3A_173 = tpu.memref_squeeze %dma_start3A_172 : memref<1x128xi32, #tpu.memory_space<vmem>> -> memref<128xi32, #tpu.memory_space<vmem>>
        %dma_start3A_174 = arith.constant 0 : i32
        %dma_start3A_175 = arith.constant 0 : i32
        %dma_start3A_176 = tpu.memref_slice %arg14[%dma_start3A_174, %dma_start3A_175] : memref<10112x16xf32, #tpu.memory_space<vmem_shared>> -> memref<10112x16xf32, #tpu.memory_space<vmem_shared>>
        tpu.enqueue_indirect_dma source(%arg11 : memref<128x16xf32, #tpu.memory_space<vmem>>) target(%dma_start3A_176 : memref<10112x16xf32, #tpu.memory_space<vmem_shared>>) offsets(%dma_start3A_173 : memref<128xi32, #tpu.memory_space<vmem>>) semaphore(%arg18 : memref<!tpu.dma_semaphore, #tpu.memory_space<semaphore_mem>>) {add = true}
        %dma_start3A_177 = arith.constant 0 : i32
        %dma_start3A_178 = tpu.memref_slice %arg8[%add3A_152, %dma_start3A_177] : memref<158x128xi32, #tpu.memory_space<vmem>> -> memref<1x128xi32, #tpu.memory_space<vmem>>
        %dma_start3A_179 = tpu.memref_squeeze %dma_start3A_178 : memref<1x128xi32, #tpu.memory_space<vmem>> -> memref<128xi32, #tpu.memory_space<vmem>>
        %dma_start3A_180 = arith.constant 0 : i32
        %dma_start3A_181 = arith.constant 0 : i32
        %dma_start3A_182 = tpu.memref_slice %arg15[%dma_start3A_180, %dma_start3A_181] : memref<10112x16xf32, #tpu.memory_space<vmem_shared>> -> memref<10112x16xf32, #tpu.memory_space<vmem_shared>>
        tpu.enqueue_indirect_dma source(%arg12 : memref<128x16xf32, #tpu.memory_space<vmem>>) target(%dma_start3A_182 : memref<10112x16xf32, #tpu.memory_space<vmem_shared>>) offsets(%dma_start3A_179 : memref<128xi32, #tpu.memory_space<vmem>>) semaphore(%arg18 : memref<!tpu.dma_semaphore, #tpu.memory_space<semaphore_mem>>) {add = true}
      } else {
      }
      %jit3A_161 = arith.constant 1 : i32
      %select_n3A_162 = arith.select %select_n3A_157, %jit3A_161, %select_n3A_136 : i32
      scf.yield %select_n3A_162 : i32
    }
    %gt3A = arith.constant 0 : i32
    %gt3A_98 = arith.cmpi sgt, %while3A_97, %gt3A : i32
    %convert_element_type3A_99 = arith.extui %gt3A_98 : i1 to i32
    %cond3A_100 = arith.constant 0 : i32
    %cond3A_101 = arith.cmpi ne, %convert_element_type3A_99, %cond3A_100 : i32
    scf.if %cond3A_101 {
      %dma_wait3A = arith.constant 0 : i32
      %dma_wait3A_111 = arith.constant 0 : i32
      %dma_wait3A_112 = tpu.memref_slice %arg8[%dma_wait3A, %dma_wait3A_111] : memref<158x128xi32, #tpu.memory_space<vmem>> -> memref<1x128xi32, #tpu.memory_space<vmem>>
      %dma_wait3A_113 = tpu.memref_squeeze %dma_wait3A_112 : memref<1x128xi32, #tpu.memory_space<vmem>> -> memref<128xi32, #tpu.memory_space<vmem>>
      %dma_wait3A_114 = arith.constant 0 : i32
      %dma_wait3A_115 = arith.constant 0 : i32
      %dma_wait3A_116 = tpu.memref_slice %arg14[%dma_wait3A_114, %dma_wait3A_115] : memref<10112x16xf32, #tpu.memory_space<vmem_shared>> -> memref<10112x16xf32, #tpu.memory_space<vmem_shared>>
      tpu.wait_indirect_dma semaphore(%arg18 : memref<!tpu.dma_semaphore, #tpu.memory_space<semaphore_mem>>) src(%arg11 : memref<128x16xf32, #tpu.memory_space<vmem>>) dst(%dma_wait3A_116 : memref<10112x16xf32, #tpu.memory_space<vmem_shared>>)
      %dma_wait3A_117 = arith.constant 0 : i32
      %dma_wait3A_118 = arith.constant 0 : i32
      %dma_wait3A_119 = tpu.memref_slice %arg8[%dma_wait3A_117, %dma_wait3A_118] : memref<158x128xi32, #tpu.memory_space<vmem>> -> memref<1x128xi32, #tpu.memory_space<vmem>>
      %dma_wait3A_120 = tpu.memref_squeeze %dma_wait3A_119 : memref<1x128xi32, #tpu.memory_space<vmem>> -> memref<128xi32, #tpu.memory_space<vmem>>
      %dma_wait3A_121 = arith.constant 0 : i32
      %dma_wait3A_122 = arith.constant 0 : i32
      %dma_wait3A_123 = tpu.memref_slice %arg15[%dma_wait3A_121, %dma_wait3A_122] : memref<10112x16xf32, #tpu.memory_space<vmem_shared>> -> memref<10112x16xf32, #tpu.memory_space<vmem_shared>>
      tpu.wait_indirect_dma semaphore(%arg18 : memref<!tpu.dma_semaphore, #tpu.memory_space<semaphore_mem>>) src(%arg12 : memref<128x16xf32, #tpu.memory_space<vmem>>) dst(%dma_wait3A_123 : memref<10112x16xf32, #tpu.memory_space<vmem_shared>>)
    } else {
    }
    %barrier3A_102 = arith.constant 0 : index
    tpu.barrier barrier_id(%barrier3A_102)
    %mul3A_103 = arith.constant 64 : i32
    %mul3A_104 = arith.muli %arg0, %mul3A_103 : i32
    "tpu.region"() ({
      %run_scoped3A = tpu.sem_alloc : memref<!tpu.dma_semaphore, #tpu.memory_space<semaphore_mem>>
      %dma_start3A_111 = tpu.memref_slice %arg5[%mul3A_8, %mul3A_104] : memref<10112x128xf32, #tpu.memory_space<hbm>> -> memref<632x64xf32, #tpu.memory_space<hbm>>
      %dma_start3A_112 = arith.constant 0 : i32
      %dma_start3A_113 = tpu.memref_slice %arg13[%mul3A_8, %dma_start3A_112] : memref<10112x64xf32, #tpu.memory_space<vmem_shared>> -> memref<632x64xf32, #tpu.memory_space<vmem_shared>>
      tpu.enqueue_dma source(%dma_start3A_113 : memref<632x64xf32, #tpu.memory_space<vmem_shared>>) target(%dma_start3A_111 : memref<632x64xf32, #tpu.memory_space<hbm>>) target_semaphore(%run_scoped3A : memref<!tpu.dma_semaphore, #tpu.memory_space<semaphore_mem>>)
      %dma_wait3A = tpu.memref_slice %arg5[%mul3A_8, %mul3A_104] : memref<10112x128xf32, #tpu.memory_space<hbm>> -> memref<632x64xf32, #tpu.memory_space<hbm>>
      %dma_wait3A_114 = arith.constant 0 : i32
      %dma_wait3A_115 = tpu.memref_slice %arg13[%mul3A_8, %dma_wait3A_114] : memref<10112x64xf32, #tpu.memory_space<vmem_shared>> -> memref<632x64xf32, #tpu.memory_space<vmem_shared>>
      tpu.wait_dma2 semaphore(%run_scoped3A : memref<!tpu.dma_semaphore, #tpu.memory_space<semaphore_mem>>) src(%dma_wait3A_115 : memref<632x64xf32, #tpu.memory_space<vmem_shared>>) dst(%dma_wait3A : memref<632x64xf32, #tpu.memory_space<hbm>>)
      tpu.yield
    }) : () -> ()
    %mul3A_105 = arith.constant 16 : i32
    %mul3A_106 = arith.muli %arg0, %mul3A_105 : i32
    "tpu.region"() ({
      %run_scoped3A = tpu.sem_alloc : memref<!tpu.dma_semaphore, #tpu.memory_space<semaphore_mem>>
      %dma_start3A_111 = tpu.memref_slice %arg6[%mul3A_8, %mul3A_106] : memref<10112x128xf32, #tpu.memory_space<hbm>> -> memref<632x16xf32, #tpu.memory_space<hbm>>
      %dma_start3A_112 = arith.constant 0 : i32
      %dma_start3A_113 = tpu.memref_slice %arg14[%mul3A_8, %dma_start3A_112] : memref<10112x16xf32, #tpu.memory_space<vmem_shared>> -> memref<632x16xf32, #tpu.memory_space<vmem_shared>>
      tpu.enqueue_dma source(%dma_start3A_113 : memref<632x16xf32, #tpu.memory_space<vmem_shared>>) target(%dma_start3A_111 : memref<632x16xf32, #tpu.memory_space<hbm>>) target_semaphore(%run_scoped3A : memref<!tpu.dma_semaphore, #tpu.memory_space<semaphore_mem>>)
      %dma_wait3A = tpu.memref_slice %arg6[%mul3A_8, %mul3A_106] : memref<10112x128xf32, #tpu.memory_space<hbm>> -> memref<632x16xf32, #tpu.memory_space<hbm>>
      %dma_wait3A_114 = arith.constant 0 : i32
      %dma_wait3A_115 = tpu.memref_slice %arg14[%mul3A_8, %dma_wait3A_114] : memref<10112x16xf32, #tpu.memory_space<vmem_shared>> -> memref<632x16xf32, #tpu.memory_space<vmem_shared>>
      tpu.wait_dma2 semaphore(%run_scoped3A : memref<!tpu.dma_semaphore, #tpu.memory_space<semaphore_mem>>) src(%dma_wait3A_115 : memref<632x16xf32, #tpu.memory_space<vmem_shared>>) dst(%dma_wait3A : memref<632x16xf32, #tpu.memory_space<hbm>>)
      tpu.yield
    }) : () -> ()
    %mul3A_107 = arith.constant 16 : i32
    %mul3A_108 = arith.muli %arg0, %mul3A_107 : i32
    %add3A_109 = arith.constant 32 : i32
    %add3A_110 = arith.addi %add3A_109, %mul3A_108 : i32
    "tpu.region"() ({
      %run_scoped3A = tpu.sem_alloc : memref<!tpu.dma_semaphore, #tpu.memory_space<semaphore_mem>>
      %dma_start3A_111 = tpu.memref_slice %arg6[%mul3A_8, %add3A_110] : memref<10112x128xf32, #tpu.memory_space<hbm>> -> memref<632x16xf32, #tpu.memory_space<hbm>>
      %dma_start3A_112 = arith.constant 0 : i32
      %dma_start3A_113 = tpu.memref_slice %arg15[%mul3A_8, %dma_start3A_112] : memref<10112x16xf32, #tpu.memory_space<vmem_shared>> -> memref<632x16xf32, #tpu.memory_space<vmem_shared>>
      tpu.enqueue_dma source(%dma_start3A_113 : memref<632x16xf32, #tpu.memory_space<vmem_shared>>) target(%dma_start3A_111 : memref<632x16xf32, #tpu.memory_space<hbm>>) target_semaphore(%run_scoped3A : memref<!tpu.dma_semaphore, #tpu.memory_space<semaphore_mem>>)
      %dma_wait3A = tpu.memref_slice %arg6[%mul3A_8, %add3A_110] : memref<10112x128xf32, #tpu.memory_space<hbm>> -> memref<632x16xf32, #tpu.memory_space<hbm>>
      %dma_wait3A_114 = arith.constant 0 : i32
      %dma_wait3A_115 = tpu.memref_slice %arg15[%mul3A_8, %dma_wait3A_114] : memref<10112x16xf32, #tpu.memory_space<vmem_shared>> -> memref<632x16xf32, #tpu.memory_space<vmem_shared>>
      tpu.wait_dma2 semaphore(%run_scoped3A : memref<!tpu.dma_semaphore, #tpu.memory_space<semaphore_mem>>) src(%dma_wait3A_115 : memref<632x16xf32, #tpu.memory_space<vmem_shared>>) dst(%dma_wait3A : memref<632x16xf32, #tpu.memory_space<hbm>>)
      tpu.yield
    }) : () -> ()
    return
  }
}

module attributes {stable_mosaic.version = 14 : i64} {
  func.func @_dense_body(%arg0: i32, %arg1: memref<1024x128xf32, #tpu.memory_space<vmem>>, %arg2: memref<1024x128xf32, #tpu.memory_space<vmem>>, %arg3: memref<1024x128xf32, #tpu.memory_space<vmem>>, %arg4: memref<1024x144xf32, #tpu.memory_space<vmem>>, %arg5: memref<144x144xf32, #tpu.memory_space<vmem>>, %arg6: memref<1x144xf32, #tpu.memory_space<vmem>>, %arg7: memref<272x128xf32, #tpu.memory_space<vmem>>, %arg8: memref<1x128xf32, #tpu.memory_space<vmem>>, %arg9: memref<1024x128xf32, #tpu.memory_space<vmem>>) attributes {dimension_semantics = [#tpu.dimension_semantics<arbitrary>], iteration_bounds = array<i64: 10>, scalar_prefetch = 0 : i64, scratch_operands = 0 : i64, tpu.core_type = #tpu.core_type<tc>, window_params = [{transform_indices = @transform_0, window_bounds = array<i64: 1024, 128>}, {transform_indices = @transform_1, window_bounds = array<i64: 1024, 128>}, {transform_indices = @transform_2, window_bounds = array<i64: 1024, 128>}, {transform_indices = @transform_3, window_bounds = array<i64: 1024, 144>}, {pipeline_mode = #tpu.pipeline_mode<synchronous>, transform_indices = @transform_4, window_bounds = array<i64: 144, 144>}, {pipeline_mode = #tpu.pipeline_mode<synchronous>, transform_indices = @transform_5, window_bounds = array<i64: 1, 144>}, {pipeline_mode = #tpu.pipeline_mode<synchronous>, transform_indices = @transform_6, window_bounds = array<i64: 272, 128>}, {pipeline_mode = #tpu.pipeline_mode<synchronous>, transform_indices = @transform_7, window_bounds = array<i64: 1, 128>}, {transform_indices = @transform_8, window_bounds = array<i64: 1024, 128>}]} {
    %get3A = arith.constant 0 : index
    %get3A_0 = arith.constant 0 : index
    %get3A_1 = vector.load %arg1[%get3A, %get3A_0] : memref<1024x128xf32, #tpu.memory_space<vmem>>, vector<1024x128xf32>
    %get3A_2 = arith.constant 0 : index
    %get3A_3 = arith.constant 0 : index
    %get3A_4 = vector.load %arg2[%get3A_2, %get3A_3] : memref<1024x128xf32, #tpu.memory_space<vmem>>, vector<1024x128xf32>
    %slice3A = vector.extract_strided_slice %get3A_4 {offsets = [0, 0], sizes = [1024, 16], strides = [1, 1]} : vector<1024x128xf32> to vector<1024x16xf32>
    %slice3A_5 = vector.extract_strided_slice %get3A_4 {offsets = [0, 16], sizes = [1024, 16], strides = [1, 1]} : vector<1024x128xf32> to vector<1024x16xf32>
    %add3A = arith.addf %slice3A, %slice3A_5 : vector<1024x16xf32>
    %slice3A_6 = vector.extract_strided_slice %get3A_4 {offsets = [0, 32], sizes = [1024, 1], strides = [1, 1]} : vector<1024x128xf32> to vector<1024x1xf32>
    %slice3A_7 = vector.extract_strided_slice %get3A_4 {offsets = [0, 48], sizes = [1024, 1], strides = [1, 1]} : vector<1024x128xf32> to vector<1024x1xf32>
    %add3A_8 = arith.addf %slice3A_6, %slice3A_7 : vector<1024x1xf32>
    %get3A_9 = arith.constant 0 : index
    %get3A_10 = arith.constant 0 : index
    %get3A_11 = vector.load %arg5[%get3A_9, %get3A_10] : memref<144x144xf32, #tpu.memory_space<vmem>>, vector<128x144xf32>
    %dot_general3A = arith.constant dense<0.000000e+00> : vector<1024x144xf32>
    %dot_general3A_12 = tpu.matmul %get3A_1, %get3A_11, %dot_general3A {dimension_numbers = #tpu.dot_dimension_numbers<[1], [0], [0], [1], [0, 0, 1, 1], [], []>, transpose_lhs_hint = false} : vector<1024x128xf32>, vector<128x144xf32>, vector<1024x144xf32> -> vector<1024x144xf32>
    %get3A_13 = arith.constant 128 : index
    %get3A_14 = arith.constant 0 : index
    %get3A_15 = vector.load %arg5[%get3A_13, %get3A_14] : memref<144x144xf32, #tpu.memory_space<vmem>>, vector<16x144xf32>
    %dot_general3A_16 = arith.constant dense<0.000000e+00> : vector<1024x144xf32>
    %dot_general3A_17 = tpu.matmul %add3A, %get3A_15, %dot_general3A_16 {dimension_numbers = #tpu.dot_dimension_numbers<[1], [0], [0], [1], [0, 0, 1, 1], [], []>, transpose_lhs_hint = false} : vector<1024x16xf32>, vector<16x144xf32>, vector<1024x144xf32> -> vector<1024x144xf32>
    %add3A_18 = arith.addf %dot_general3A_12, %dot_general3A_17 : vector<1024x144xf32>
    %get3A_19 = arith.constant 0 : index
    %get3A_20 = arith.constant 0 : index
    %get3A_21 = vector.load %arg6[%get3A_19, %get3A_20] : memref<1x144xf32, #tpu.memory_space<vmem>>, vector<1x144xf32>
    %get3A_22 = vector.shape_cast %get3A_21 : vector<1x144xf32> to vector<144xf32>
    %broadcast_in_dim3A = vector.shape_cast %get3A_22 : vector<144xf32> to vector<1x144xf32>
    %mul3A = vector.broadcast %add3A_8 : vector<1024x1xf32> to vector<1024x144xf32>
    %mul3A_23 = vector.broadcast %broadcast_in_dim3A : vector<1x144xf32> to vector<1024x144xf32>
    %mul3A_24 = arith.mulf %mul3A, %mul3A_23 : vector<1024x144xf32>
    %add3A_25 = arith.addf %add3A_18, %mul3A_24 : vector<1024x144xf32>
    %gt3A = arith.constant 0.000000e+00 : f32
    %gt3A_26 = vector.broadcast %gt3A : f32 to vector<1024x1xf32>
    %gt3A_27 = arith.cmpf ogt, %add3A_8, %gt3A_26 : vector<1024x1xf32>
    %max3A = arith.constant 0.000000e+00 : f32
    %max3A_28 = vector.broadcast %max3A : f32 to vector<1024x144xf32>
    %max3A_29 = arith.maximumf %add3A_25, %max3A_28 : vector<1024x144xf32>
    %get3A_30 = arith.constant 0 : index
    %get3A_31 = arith.constant 0 : index
    %get3A_32 = vector.load %arg4[%get3A_30, %get3A_31] : memref<1024x144xf32, #tpu.memory_space<vmem>>, vector<1024x144xf32>
    %broadcast_in_dim3A_33 = vector.shape_cast %gt3A_27 : vector<1024x1xi1> to vector<1024x1xi1>
    %broadcast_in_dim3A_34 = vector.broadcast %broadcast_in_dim3A_33 : vector<1024x1xi1> to vector<1024x144xi1>
    %select_n3A = arith.select %broadcast_in_dim3A_34, %max3A_29, %get3A_32 : vector<1024x144xi1>, vector<1024x144xf32>
    %get3A_35 = arith.constant 0 : index
    %get3A_36 = arith.constant 0 : index
    %get3A_37 = vector.load %arg3[%get3A_35, %get3A_36] : memref<1024x128xf32, #tpu.memory_space<vmem>>, vector<1024x128xf32>
    %get3A_38 = arith.constant 0 : index
    %get3A_39 = arith.constant 0 : index
    %get3A_40 = vector.load %arg7[%get3A_38, %get3A_39] : memref<272x128xf32, #tpu.memory_space<vmem>>, vector<128x128xf32>
    %dot_general3A_41 = arith.constant dense<0.000000e+00> : vector<1024x128xf32>
    %dot_general3A_42 = tpu.matmul %get3A_37, %get3A_40, %dot_general3A_41 {dimension_numbers = #tpu.dot_dimension_numbers<[1], [0], [0], [1], [0, 0, 1, 1], [], []>, transpose_lhs_hint = false} : vector<1024x128xf32>, vector<128x128xf32>, vector<1024x128xf32> -> vector<1024x128xf32>
    %get3A_43 = arith.constant 128 : index
    %get3A_44 = arith.constant 0 : index
    %get3A_45 = vector.load %arg7[%get3A_43, %get3A_44] : memref<272x128xf32, #tpu.memory_space<vmem>>, vector<144x128xf32>
    %dot_general3A_46 = arith.constant dense<0.000000e+00> : vector<1024x128xf32>
    %dot_general3A_47 = tpu.matmul %select_n3A, %get3A_45, %dot_general3A_46 {dimension_numbers = #tpu.dot_dimension_numbers<[1], [0], [0], [1], [0, 0, 1, 1], [], []>, transpose_lhs_hint = false} : vector<1024x144xf32>, vector<144x128xf32>, vector<1024x128xf32> -> vector<1024x128xf32>
    %add3A_48 = arith.addf %dot_general3A_42, %dot_general3A_47 : vector<1024x128xf32>
    %get3A_49 = arith.constant 0 : index
    %get3A_50 = arith.constant 0 : index
    %get3A_51 = vector.load %arg8[%get3A_49, %get3A_50] : memref<1x128xf32, #tpu.memory_space<vmem>>, vector<1x128xf32>
    %get3A_52 = vector.shape_cast %get3A_51 : vector<1x128xf32> to vector<128xf32>
    %broadcast_in_dim3A_53 = vector.shape_cast %get3A_52 : vector<128xf32> to vector<1x128xf32>
    %add3A_54 = vector.broadcast %broadcast_in_dim3A_53 : vector<1x128xf32> to vector<1024x128xf32>
    %add3A_55 = arith.addf %add3A_48, %add3A_54 : vector<1024x128xf32>
    %max3A_56 = arith.constant 0.000000e+00 : f32
    %max3A_57 = vector.broadcast %max3A_56 : f32 to vector<1024x128xf32>
    %max3A_58 = arith.maximumf %add3A_55, %max3A_57 : vector<1024x128xf32>
    %swap3A = arith.constant 0 : index
    %swap3A_59 = arith.constant 0 : index
    %swap3A_60 = vector.load %arg9[%swap3A, %swap3A_59] : memref<1024x128xf32, #tpu.memory_space<vmem>>, vector<1024x128xf32>
    tpu.vector_store %arg9[%swap3A, %swap3A_59], %max3A_58 {strides = array<i32>} : memref<1024x128xf32, #tpu.memory_space<vmem>>, vector<1024x128xf32>,
    return
  }
  func.func @transform_0(%arg0: i32) -> (i32, i32) {
    %c0_i32 = arith.constant 0 : i32
    %c0_i32_0 = arith.constant 0 : i32
    return %arg0, %c0_i32 : i32, i32
  }
  func.func @transform_1(%arg0: i32) -> (i32, i32) {
    %c0_i32 = arith.constant 0 : i32
    %c0_i32_0 = arith.constant 0 : i32
    return %arg0, %c0_i32 : i32, i32
  }
  func.func @transform_2(%arg0: i32) -> (i32, i32) {
    %c0_i32 = arith.constant 0 : i32
    %c0_i32_0 = arith.constant 0 : i32
    return %arg0, %c0_i32 : i32, i32
  }
  func.func @transform_3(%arg0: i32) -> (i32, i32) {
    %c0_i32 = arith.constant 0 : i32
    %c0_i32_0 = arith.constant 0 : i32
    return %arg0, %c0_i32 : i32, i32
  }
  func.func @transform_4(%arg0: i32) -> (i32, i32) {
    %c0_i32 = arith.constant 0 : i32
    %c0_i32_0 = arith.constant 0 : i32
    %c0_i32_1 = arith.constant 0 : i32
    return %c0_i32, %c0_i32_0 : i32, i32
  }
  func.func @transform_5(%arg0: i32) -> (i32, i32) {
    %c0_i32 = arith.constant 0 : i32
    %c0_i32_0 = arith.constant 0 : i32
    %c0_i32_1 = arith.constant 0 : i32
    return %c0_i32, %c0_i32_0 : i32, i32
  }
  func.func @transform_6(%arg0: i32) -> (i32, i32) {
    %c0_i32 = arith.constant 0 : i32
    %c0_i32_0 = arith.constant 0 : i32
    %c0_i32_1 = arith.constant 0 : i32
    return %c0_i32, %c0_i32_0 : i32, i32
  }
  func.func @transform_7(%arg0: i32) -> (i32, i32) {
    %c0_i32 = arith.constant 0 : i32
    %c0_i32_0 = arith.constant 0 : i32
    %c0_i32_1 = arith.constant 0 : i32
    return %c0_i32, %c0_i32_0 : i32, i32
  }
  func.func @transform_8(%arg0: i32) -> (i32, i32) {
    %c0_i32 = arith.constant 0 : i32
    %c0_i32_0 = arith.constant 0 : i32
    return %arg0, %c0_i32 : i32, i32
  }
}

</mosaic_0001>

<sc_bundles>
// kernel: kernel.4.cloned.1.call-start
scs
__scs_entry_jumppad:
0x0: {  	(pc) =	sbr.rel $0x88, $3  }
0x1: {  	(tag) =	ssettag $0x0;
	lr =	simm.s32 $0x1  }
0x2: {  	[smem:$0x3F99] =	sst lr;
	_ =	strace $0xD0000000  }
0x3: {  	_ = 	snop  }
0x4: {  	_ = 	snop  }
0x5: {  	_ = 	snop  }
0x6: {  	_ = 	snop  }
0x7: {  	_ = 	snop  }
__scs_overlays_trampoline_lowered:
0x8: {  	[smem:$0x3FA8] =	sst s0  }
0x9: {  	[smem:$0x3FA9] =	sst s1  }
0xa: {  	[smem:$0x3FAA] =	sst s2  }
0xb: {  	[smem:$0x3FAB] =	sst s3  }
0xc: {  	[smem:$0x3FAC] =	sst s4  }
0xd: {  	[smem:$0x3FAD] =	sst s5  }
0xe: {  	[smem:$0x3FAE] =	sst s6  }
0xf: {  	[smem:$0x3FAF] =	sst s7  }
0x10: {  	[smem:$0x3FB0] =	sst s8  }
0x11: {  	[smem:$0x3FB1] =	sst s9;
	s0 =	simm.s32 @!p0 $0x0  }
0x12: {  	s1 =	sld [smem:$0x3F97];
	s0 =	simm.s32 @p0 $0x1  }
0x13: {  	[smem:$0x3FB2] =	sst s0;
	s0 =	simm.s32 @!p1 $0x0  }
0x14: {  	s2 =	sld [smem:$0x3F96];
	s0 =	simm.s32 @p1 $0x1  }
0x15: {  	[smem:$0x3FB3] =	sst s0;
	s0 =	simm.s32 @!p2 $0x0  }
0x16: {  	s3 =	sld [smem:$0x3FDB];
	s0 =	simm.s32 @p2 $0x1  }
0x17: {  	s4 =	simm.s32 $0x1BF5;
	[smem:$0x3FB5] =	sst s0  }
0x18: {  	s0 =	sld [smem:$0x3F98];
	_ =	swait.ge [sflag:s4], $0x0  }
0x19: {  	s7 =	sld [smem:$0x3F99]  }
0x1a: {  	s8 =	sadd.s32 $0xFFFFE003, lr  }
0x1b: {  	s9 =	sadd.s32 $0xFFFFFEF7, lr;
	s5 =	simm.s32 $0xFFFFFFFF;
	p2 =	slt.u32 s8, $0xFFFFF086  }
0x1c: {  	p1 =	slt.u32 s9, $0xF7A;
	s5 =	simm.s32 @!p2 $0x0  }
0x1d: {  	s5 =	simm.s32 @p1 $0x1;
	p0 =	seq.s32 s7, s2  }
0x1e: {  	s7 =	smul.u32 @!p0 $0xF7A, s2;
	p2 =	seq.s32 @!p0 s5, $0x0  }
0x1f: {  	s9 =	smul.u32 $0xF7A, s1;
	s8 =	simm.s32 @!p0 $0x1BF5;
	p2 =	por !p2, p0  }
0x20: {  	[sflag:s8] =	ssyncset.s32 @!p0 $0xFFFFF086;
	s6 =	sadd.s32 @!p0 s3, s7;
	s7 =	simm.s32 @!p0 $0x108  }
0x21: {  	s3 =	sadd.s32 s3, s9;
	s6 =	sadd.s32 @!p0 $0x88, s6;
	s7 =	simm.s32 @p2 $0x1082  }
0x22: {  	[simem:s7], [sflag:s8] =	dma.local @!p0 [hbm:s6], $0xF7A  }
0x23: {  	s9 =	sor.u32 $0xD0000000, s2;
	s6 =	simm.s32 $0x108;
	_ =	swait.ge @!p0 [sflag:s8], $0x0  }
0x24: {  	s3 =	sadd.s32 $0x88, s3;
	s6 =	simm.s32 @!p1 $0x1082;
	[sflag:s4] =	ssyncset.s32 $0xFFFFF086  }
0x25: {  	[simem:s6], [sflag:s4] =	dma.local [hbm:s3], $0xF7A  }
0x26: {  	[smem:$0x3F99] =	sst s1;
	(tag) =	ssettag s2;
	_ =	strace s9  }
0x27: {  	s1 =	sld [smem:$0x3FA9]  }
0x28: {  	s2 =	sld [smem:$0x3FAA]  }
0x29: {  	s4 =	sld [smem:$0x3FAC]  }
0x2a: {  	p0 =	seq.s32 s5, $0x0;
	s5 =	sld [smem:$0x3FAD]  }
0x2b: {  	s6 =	sld [smem:$0x3FAE]  }
0x2c: {  	s7 =	sld [smem:$0x3FAF]  }
0x2d: {  	s3 =	simm.s32 $0x108;
	s8 =	sld [smem:$0x3FB0]  }
0x2e: {  	s3 =	simm.s32 @!p0 $0x1082;
	s9 =	sld [smem:$0x3FB1]  }
0x2f: {  	lr =	sadd.s32 s0, s3;
	s0 =	sld [smem:$0x3FA8]  }
0x30: {  	s3 =	sld [smem:$0x3FAB]  }
0x31: {  	[smem:$0x3FB4] =	sst s10  }
0x32: {  	s10 =	sld [smem:$0x3FB2];
	_ =	sdelay $0x3  }
0x33: {  	p0 =	seq.s32 s10, $0x1;
	s10 =	sld [smem:$0x3FB4];
	_ =	sdelay $0x3  }
0x34: {  	[smem:$0x3FB4] =	sst s10  }
0x35: {  	s10 =	sld [smem:$0x3FB3];
	_ =	sdelay $0x3  }
0x36: {  	p1 =	seq.s32 s10, $0x1;
	s10 =	sld [smem:$0x3FB4];
	_ =	sdelay $0x3  }
0x37: {  	[smem:$0x3FB4] =	sst s10  }
0x38: {  	s10 =	sld [smem:$0x3FB5]  }
0x39: {  	_ = 	snop;
	(pc) =	sbr.ind lr, $3  }
0x3a: {  	_ = 	snop  }
0x3b: {  	_ = 	snop  }
0x3c: {  	p2 =	seq.s32 s10, $0x1;
	s10 =	sld [smem:$0x3FB4]  }
0x3d: {  	_ =	shalt  }
0x3e: {  	_ =	shalt  }
0x3f: {  	_ =	shalt  }
0x40: {  	_ =	shalt  }
0x41: {  	_ =	shalt  }
0x42: {  	_ =	shalt  }
0x43: {  	_ =	shalt  }
0x44: {  	_ =	shalt  }
0x45: {  	_ =	shalt  }
0x46: {  	_ =	shalt  }
0x47: {  	_ =	shalt  }
0x48: {  	_ =	shalt  }
0x49: {  	_ =	shalt  }
0x4a: {  	_ =	shalt  }
0x4b: {  	_ =	shalt  }
0x4c: {  	_ =	shalt  }
0x4d: {  	_ =	shalt  }
0x4e: {  	_ =	shalt  }
0x4f: {  	_ =	shalt  }
0x50: {  	_ =	shalt  }
0x51: {  	_ =	shalt  }
0x52: {  	_ =	shalt  }
0x53: {  	_ =	shalt  }
0x54: {  	_ =	shalt  }
0x55: {  	_ =	shalt  }
0x56: {  	_ =	shalt  }
0x57: {  	_ =	shalt  }
0x58: {  	_ =	shalt  }
0x59: {  	_ =	shalt  }
0x5a: {  	_ =	shalt  }
0x5b: {  	_ =	shalt  }
0x5c: {  	_ =	shalt  }
0x5d: {  	_ =	shalt  }
0x5e: {  	_ =	shalt  }
0x5f: {  	_ =	shalt  }
0x60: {  	_ =	shalt  }
0x61: {  	_ =	shalt  }
0x62: {  	_ =	shalt  }
0x63: {  	_ =	shalt  }
0x64: {  	_ =	shalt  }
0x65: {  	_ =	shalt  }
0x66: {  	_ =	shalt  }
0x67: {  	_ =	shalt  }
0x68: {  	_ =	shalt  }
0x69: {  	_ =	shalt  }
0x6a: {  	_ =	shalt  }
0x6b: {  	_ =	shalt  }
0x6c: {  	_ =	shalt  }
0x6d: {  	_ =	shalt  }
0x6e: {  	_ =	shalt  }
0x6f: {  	_ =	shalt  }
0x70: {  	_ =	shalt  }
0x71: {  	_ =	shalt  }
0x72: {  	_ =	shalt  }
0x73: {  	_ =	shalt  }
0x74: {  	_ =	shalt  }
0x75: {  	_ =	shalt  }
0x76: {  	_ =	shalt  }
0x77: {  	_ =	shalt  }
0x78: {  	_ =	shalt  }
0x79: {  	_ =	shalt  }
0x7a: {  	_ =	shalt  }
0x7b: {  	_ =	shalt  }
0x7c: {  	_ =	shalt  }
0x7d: {  	_ =	shalt  }
0x7e: {  	_ =	shalt  }
0x7f: {  	_ =	shalt  }
0x80: {  	_ =	shalt  }
0x81: {  	_ =	shalt  }
0x82: {  	_ =	shalt  }
0x83: {  	_ =	shalt  }
0x84: {  	_ =	shalt  }
0x85: {  	_ =	shalt  }
0x86: {  	_ =	shalt  }
0x87: {  	_ =	shalt  }
.Lfunc_end0:
.L_simem_size_0:
called_computation_lowered:
.L_overlay_start_0:
0x88: {  	s2 =	sld [smem:$0x3FD9]  }
0x89: {  	s3 =	sld [smem:$0x3FFE];
	_ =	sdelay $0x1  }
0x8a: {  	s1 =	srdreg.scid  }
0x8b: {  	s0 =	sand.u32 $0x1, s1  }
0x8c: {  	s17 =	sshll.u32 s0, $0xA;
	s2 =	sadd.s32 s3, s2  }
0x8d: {  	s2 =	sadd.s32 s2, s17  }
0x8e: {  	[smem:$0x3FC0] =	sst s2  }
0x8f: {  	_ = 	snop  }
0x90: {  	s2 =	sld [smem:$0x3FC9]  }
0x91: {  	s18 =	sld [smem:$0x3FD0];
	(tm) =	ssettm $0x1  }
0x92: {  	s4 =	sld [smem:$0x3FFB];
	_ =	sdelay $0x3  }
0x93: {  	_ =	strace s4  }
0x94: {  	s4 =	sld [smem:$0x3FFC];
	_ =	sdelay $0x3  }
0x95: {  	_ =	strace s4  }
0x96: {  	s4 =	sld [smem:$0x3FFD];
	_ =	sdelay $0x3  }
0x97: {  	_ =	strace s4  }
0x98: {  	_ =	strace $0x8FFFFFFF  }
0x99: {  	s19 =	sld [smem:$0x3FDB];
	_ =	sdelay $0x1  }
0x9a: {  	s5 =	simm.s32 $_scs_section_size  }
0x9b: {  	s6 =	simm.s32 $_size__tile_overlayer_lowered;
	s7 =	simm.s32 $_tile_overlayer_lowered  }
0x9c: {  	s22 =	simm.s32 $0x1BFF;
	s21 =	sshll.u32 s7, $0x1;
	s4 =	sadd.s32 s5, s19  }
0x9d: {  	s8 =	simm.s32 $0x0;
	s20 =	sshll.u32 s6, $0x1;
	s6 =	sadd.s32 s21, s4  }
0x9e: {  	[timem:s8], [sflag:s22] =	dma.local [hbm:s6], s20  }
0x9f: {  	_ =	swait.ge [sflag:s22], s20  }
0xa0: {  	s5 =	ssub.s32 $0x0, s20;
	[sflag:s22] =	ssyncset.done $0x0  }
0xa1: {  	[sflag:s22] =	ssyncadd.s32 s5;
	_ =	sdelay $0x1  }
0xa2: {  	s23 =	simm.s32 $0x1B8B  }
0xa3: {  	_ =	swait.ge [sflag:s23], $0x1  }
0xa4: {  	[sflag:s23] =	ssyncset.done $0x0  }
0xa5: {  	s25 =	simm.s32 $0x1B8E;
	s24 =	sld [smem:$0x3FFE];
	[sflag:s23] =	ssyncadd.s32 $0xFFFFFFFF  }
0xa6: {  	s26 =	simm.s32 $execute0_lowered;
	[smem:$0x3FD2] =	sst s25  }
0xa7: {  	s6 =	sshll.u32 s26, $0x1;
	_ =	strace $0x80000046;
	[dreg:$0x1] =	wrdreg $0xFFFFFFFF  }
0xa8: {  	s28 =	simm.s32 $_size_execute0_lowered;
	s4 =	sadd.s32 s4, s6;
	[dreg:$0x0] =	wrdreg $0x0  }
0xa9: {  	s6 =	sshll.u32 s28, $0x1;
	[dreg:$0x2] =	wrdreg s4  }
0xaa: {  	[dreg:$0x3] =	wrdreg s6  }
0xab: {  	[dreg:$0x4] =	wrdreg $0xC0  }
0xac: {  	_ =	task [dreg:s8], $0x5FFFF  }
0xad: {  	[dreg:$0x1] =	wrdreg $0xFFFFFFFF  }
0xae: {  	[dreg:$0x0] =	wrdreg $0x60  }
0xaf: {  	[dreg:$0x2] =	wrdreg s2  }
0xb0: {  	[dreg:$0x3] =	wrdreg s18  }
0xb1: {  	[dreg:$0x4] =	wrdreg s24  }
0xb2: {  	[dreg:$0x5] =	wrdreg $0xEE000  }
0xb3: {  	[dreg:$0x6] =	wrdreg $0x18C000  }
0xb4: {  	[dreg:$0x7] =	wrdreg $0x1B3800  }
0xb5: {  	[dreg:$0x8] =	wrdreg $0x9  }
0xb6: {  	_ =	task.clear_ibuf [dreg:s8], $0x9FFFF;
	_ =	strace $0x90000046  }
0xb7: {  	s29 =	simm.s32 $0x9;
	_ =	strace $0x80000048  }
0xb8: {  	_ =	swait.ge [sflag:s29], $0x1  }
0xb9: {  	[sflag:s29] =	ssyncadd.s32 $0xFFFFFFFF  }
0xba: {  	_ =	strace $0x90000048  }
0xbb: {  	_ =	sfence  }
0xbc: {  	s30 =	sld [smem:$0x0];
	_ =	sdelay $0x2  }
0xbd: {  	s31 =	sshll.u32 s1, $0xD;
	s1 =	sshrl.u32 s1, $0x2  }
0xbe: {  	s3 =	sand.u32 $0x4000, s31;
	s1 =	sadd.s32 s1, s30  }
0xbf: {  	s0 =	sor.u32 s3, s0;
	s1 =	sshll.u32 s1, $0x11  }
0xc0: {  	s0 =	sor.u32 s1, s0  }
0xc1: {  	s0 =	sadd.s32 $0x8F2B, s0  }
0xc2: {  	[sflag:s0] =	ssyncadd.remote.s32 $0x1  }
0xc3: {  	_ =	sfence.sel $0xFFFF  }
0xc4: {  	[dreg:$0x0] =	wrdreg $0xFFFFFFFF;
	(pc) =	sbr.abs _section_cstart, $3  }
0xc5: {  	[dreg:$0x1] =	wrdreg $0xFFFFFFFF  }
0xc6: {  	_ =	task.clear_ibuf [dreg:s8], $0x2FFFF;
	_ =	strace $0x9FFFFFFF  }
0xc7: {  	(tm) =	ssettm $0x7FFFFFFF  }
tec
execute0_lowered:
.L_overlay_start_1:
0x0: {  	(tag) =	ssettag $0x1  }
0x1: {  	s0 =	rddreg [dreg:$0x0]  }
0x2: {  	s2 =	rddreg [dreg:$0x1]  }
0x3: {  	s7 =	rddreg [dreg:$0x2]  }
0x4: {  	s3 =	rddreg [dreg:$0x3];
	s17 =	stileid.u32  }
0x5: {  	s4 =	rddreg [dreg:$0x4];
	s8 =	smul.u32 $0x13C00, s17  }
0x6: {  	s5 =	rddreg [dreg:$0x5];
	s9 =	smul.u32 $0x9E00, s17  }
0x7: {  	s1 =	srdreg.scid;
	s12 =	smul.u32 $0x278, s17  }
0x8: {  	s6 =	simm.s32 $0x0;
	s1 =	sand.u32 $0x1, s1;
	s13 =	smul.u32 $0x27800, s17  }
0x9: {  	[smem:$0x7FF] =	sst s6;
	s15 =	smul.u32 $0x2780, s17;
	p0 =	seq.s32 s17, $0xF  }
0xa: {  	s10 =	sshll.u32 s1, $0x6;
	_ =	strace $0x80000047;
	s29 =	sshll.u32 s1, $0x4  }
0xb: {  	s30 =	ssub.s32 $0x2, s1;
	p1 =	seq.s32 s1, $0x0;
	s10 =	sor.u32 s10, s8  }
0xc: {  	s11 =	sadd.s32 s9, s7;
	s8 =	sor.u32 s29, s8;
	s14 =	sshrl.u32 s30, $0x1  }
0xd: {  	s18 =	sshrl.u32 s13, $0x2;
	s19 =	sadd.s32 $0x80, s12;
	s9 =	sadd.s32 s15, s5  }
0xe: {  	s22 =	sadd.s32 $0x100, s12;
	s25 =	sadd.s32 $0x180, s12;
	s12 =	sadd.s32 $0x200, s12  }
0xf: {  	s28 =	sshrl.u32 s10, $0x3;
	s8 =	sshrl.u32 s8, $0x3;
	s14 =	ssub.s32 s30, s14  }
0x10: {  	s20 =	sshll.u32 s19, $0x6;
	s13 =	sshll.u32 s19, $0x4;
	s23 =	sshll.u32 s22, $0x6  }
0x11: {  	s26 =	sshll.u32 s25, $0x6;
	s29 =	sshll.u32 s12, $0x6;
	s30 =	smul.u32 $0x4F00, s17  }
0x12: {  	s16 =	sadd.s32 s8, s7;
	s8 =	sadd.s32 s15, s4;
	s15 =	sadd.s32 s20, s3  }
0x13: {  	s12 =	sshll.u32 s12, $0x4;
	s21 =	sadd.s32 s13, s4;
	[dreg:$0x7] =	wrdreg s15  }
0x14: {  	s17 =	simm.s32 $0x2;
	s13 =	sadd.s32 s13, s5;
	[dreg:$0x8] =	wrdreg s21  }
0x15: {  	s10 =	sadd.s32 s28, s7;
	s19 =	sadd.s32 s12, s4;
	[dreg:$0x9] =	wrdreg s13  }
0x16: {  	s7 =	sadd.s32 s18, s3;
	s12 =	sadd.s32 s12, s5;
	[dreg:$0x11] =	wrdreg s19  }
0x17: {  	s15 =	sshll.u32 s22, $0x4;
	s13 =	sadd.s32 s23, s3;
	[dreg:$0x12] =	wrdreg s12  }
0x18: {  	s18 =	sshrl.u32 s30, $0x3;
	s22 =	sadd.s32 $0x9420, s2;
	[dreg:$0xa] =	wrdreg s13  }
0x19: {  	s21 =	simm.s32 $0x82;
	s23 =	sadd.s32 $0x2600, s10;
	[dreg:$0x14] =	wrdreg s22  }
0x1a: {  	s12 =	simm.s32 $0x4;
	s24 =	sadd.s32 s15, s4;
	[dreg:$0x16] =	wrdreg s23  }
0x1b: {  	s19 =	simm.s32 $0x3;
	s15 =	sadd.s32 s15, s5;
	[dreg:$0xb] =	wrdreg s24  }
0x1c: {  	s20 =	sadd.s32 s2, s18;
	s2 =	sadd.s32 $0x13060, s2;
	[dreg:$0xc] =	wrdreg s15  }
0x1d: {  	s13 =	sshll.u32 s25, $0x4;
	s25 =	sadd.s32 $0x29E04, s16;
	[dreg:$0x15] =	wrdreg s2  }
0x1e: {  	s21 =	simm.s32 @!p0 $0x9E;
	s18 =	simm.s32 $0xE600;
	[dreg:$0x18] =	wrdreg s25  }
0x1f: {  	s22 =	simm.s32 $0x0;
	s15 =	sadd.s32 s26, s3;
	[dreg:$0x13] =	wrdreg s20  }
0x20: {  	s28 =	sadd.s32 s13, s4;
	s13 =	sadd.s32 s13, s5;
	[dreg:$0xd] =	wrdreg s15  }
0x21: {  	s24 =	sadd.s32 $0x29E00, s16;
	s26 =	sshrl.u32 s21, $0x1;
	[dreg:$0xe] =	wrdreg s28  }
0x22: {  	s30 =	sadd.s32 $0x9C40, s20;
	s10 =	sshll.u32 s21, $0x9;
	[dreg:$0xf] =	wrdreg s13  }
.Ltmp0:
0x23: {  	s16 =	simm.s32 $0x1;
	[dreg:$0x17] =	wrdreg s24;
	(pc) =	sbr.rel .LBB2_1-.Ltmp0, $4  }
0x24: {  	s13 =	sadd.s32 s29, s3;
	s28 =	smax.u32 s14, $0x1;
	[dreg:$0x1b] =	wrdreg s30  }
0x25: {  	s31 =	sadd.s32 $0xFFFFFFFF, s26;
	s29 =	sadd.s32 $0x4E4700, s11;
	[dreg:$0x10] =	wrdreg s13  }
0x26: {  	s11 =	simm.s32 $0x9E00;
	s14 =	simm.s32 $0x80;
	[dreg:$0x19] =	wrdreg s28  }
0x27: {  	v1 =	vimm.f32 $0.0e+00;
	v2 =	vimm.f32 $1.000000000e+00;
	v0 =	vmov s1;
	s15 =	simm.s32 $0xBE00;
	[dreg:$0x1a] =	wrdreg s29;
	s13 =	simm.s32 $0xDE00  }
.LBB2_10:
0x28: {  	p2 =	slt.s32 s29, $0x1  }
.Ltmp1:
0x29: {  	_ = 	snop;
	(pc) =	sbr.rel @p2 .LBB2_12-.Ltmp1, $1  }
0x2a: {  	_ =	sdelay $0x3  }
.LBB2_11:
0x2b: {  	_ =	swait.ge [sflag:s19], $0x800  }
0x2c: {  	[sflag:s19] =	ssyncset.done $0x0  }
0x2d: {  	[sflag:s19] =	ssyncadd.s32 $0xFFFFF800  }
0x2e: {  	_ =	swait.ge [sflag:s19], $0x800  }
0x2f: {  	[sflag:s19] =	ssyncset.done $0x0  }
0x30: {  	[sflag:s19] =	ssyncadd.s32 $0xFFFFF800  }
.LBB2_12:
0x31: {  	s1 =	stileid.u32;
	[bflag:$0x0] =	sbarrier.arrive $0xFFFF  }
0x32: {  	s2 =	sshrl.u32 s7, $0x3;
	s23 =	simm.s32 $0x10;
	s1 =	sshll.u32 s1, $0x6  }
0x33: {  	s24 =	simm.s32 $0x8;
	s20 =	rddreg [dreg:$0x16];
	s1 =	sor.u32 $0x1C04, s1  }
0x34: {  	[hbm:s20@s23], [sflag:s1] =	dma.strided [spmem:s2@s24], $0x13C0, s16, $0x8   }
0x35: {  	_ =	swait.ge [sflag:s12], $0x13C0  }
0x36: {  	[sflag:s12] =	ssyncset.done $0x0  }
0x37: {  	s25 =	sshrl.u32 s8, $0x3;
	s26 =	rddreg [dreg:$0x17];
	[sflag:s12] =	ssyncadd.s32 $0xFFFFEC40  }
0x38: {  	[hbm:s26@s23], [sflag:s1] =	dma.strided [spmem:s25@s17], $0x4F0, s16, $0x2   }
0x39: {  	_ =	swait.ge [sflag:s12], $0x4F0  }
0x3a: {  	[sflag:s12] =	ssyncset.done $0x0  }
0x3b: {  	s28 =	sshrl.u32 s9, $0x3;
	s29 =	rddreg [dreg:$0x18];
	[sflag:s12] =	ssyncadd.s32 $0xFFFFFB10  }
0x3c: {  	[hbm:s29@s23], [sflag:s1] =	dma.strided [spmem:s28@s17], $0x4F0, s16, $0x2   }
0x3d: {  	_ =	swait.ge [sflag:s12], $0x4F0  }
0x3e: {  	s22 =	sadd.s32 $0x1, s22;
	s30 =	rddreg [dreg:$0x19]  }
0x3f: {  	p2 =	sne.s32 s22, s30  }
.Ltmp2:
0x40: {  	_ = 	snop;
	(pc) =	sbr.rel @!p2 .LBB2_13-.Ltmp2, $3  }
0x41: {  	_ =	sdelay $0x1  }
0x42: {  	[sflag:s12] =	ssyncset.done $0x0  }
0x43: {  	[sflag:s12] =	ssyncadd.s32 $0xFFFFFB10  }
.LBB2_1:
0x44: {  	s1 =	simm.s32 $0x9E20  }
0x45: {  	[tilespmem:s1+$0xFFFFFFE0] =	vst v1  }
0x46: {  	[tilespmem:s1+$0x10] =	vst v1  }
0x47: {  	[tilespmem:s1+$0x0] =	vst v1  }
0x48: {  	s24 =	simm.s32 $0x40;
	s25 =	simm.s32 $0x0;
	[tilespmem:s1+$0xFFFFFFF0] =	vst v1  }
.LBB2_2:
0x49: {  	p2 =	sne.s32 s24, $0x1FC0  }
0x4a: {  	[tilespmem:s25+$0xDE00] =	vst v1;
	s1 =	sadd.s32 $0x40, s1;
	s28 =	smov.u32 s24;
	s24 =	sadd.s32 $0x40, s24  }
.Ltmp3:
0x4b: {  	[tilespmem:s25+$0xE600] =	vst v2;
	(pc) =	sbr.rel @p2 .LBB2_2-.Ltmp3, $4  }
0x4c: {  	[tilespmem:s1+$0xFFFFFFE0] =	vst v1  }
0x4d: {  	[tilespmem:s1+$0x10] =	vst v1  }
0x4e: {  	[tilespmem:s1+$0x0] =	vst v1  }
0x4f: {  	s25 =	sshra.s32 s28, $0x2;
	[tilespmem:s1+$0xFFFFFFF0] =	vst v1  }
0x50: {  	[tilespmem:s25+$0xDE00] =	vst v1  }
0x51: {  	[tilespmem:s25+$0xE600] =	vst v2  }
0x52: {  	[spmem:s7] =	stream.linear.scatter [tilespmem:s11], [sflag:$0x4], $0x2000, $0x38;
	[tilespmem:$0x1DB00] =	vst v63  }
0x53: {  	_ =	swait.ge [sflag:s12], $0x2000  }
0x54: {  	[sflag:s12] =	ssyncset.done $0x0  }
0x55: {  	[sflag:s12] =	ssyncadd.s32 $0xFFFFE000  }
0x56: {  	[spmem:s8] =	stream.linear.scatter [tilespmem:s13], [sflag:$0x4], $0x800, $0x38;
	[tilespmem:$0x1DB00] =	vst v63  }
0x57: {  	_ =	swait.ge [sflag:s12], $0x800  }
0x58: {  	[sflag:s12] =	ssyncset.done $0x0  }
0x59: {  	[sflag:s12] =	ssyncadd.s32 $0xFFFFF800  }
0x5a: {  	[spmem:s9] =	stream.linear.scatter [tilespmem:s13], [sflag:$0x4], $0x800, $0x38;
	[tilespmem:$0x1DB00] =	vst v63  }
0x5b: {  	_ =	swait.ge [sflag:s12], $0x800  }
0x5c: {  	[sflag:s12] =	ssyncset.done $0x0  }
0x5d: {  	s1 =	rddreg [dreg:$0x7];
	[sflag:s12] =	ssyncadd.s32 $0xFFFFF800  }
0x5e: {  	[spmem:s1] =	stream.linear.scatter [tilespmem:s11], [sflag:$0x4], $0x2000, $0x38;
	[tilespmem:$0x1DB00] =	vst v63  }
0x5f: {  	_ =	swait.ge [sflag:s12], $0x2000  }
0x60: {  	[sflag:s12] =	ssyncset.done $0x0  }
0x61: {  	s25 =	rddreg [dreg:$0x8];
	[sflag:s12] =	ssyncadd.s32 $0xFFFFE000  }
0x62: {  	[spmem:s25] =	stream.linear.scatter [tilespmem:s13], [sflag:$0x4], $0x800, $0x38;
	[tilespmem:$0x1DB00] =	vst v63  }
0x63: {  	_ =	swait.ge [sflag:s12], $0x800  }
0x64: {  	[sflag:s12] =	ssyncset.done $0x0  }
0x65: {  	s26 =	rddreg [dreg:$0x9];
	[sflag:s12] =	ssyncadd.s32 $0xFFFFF800  }
0x66: {  	[spmem:s26] =	stream.linear.scatter [tilespmem:s13], [sflag:$0x4], $0x800, $0x38;
	[tilespmem:$0x1DB00] =	vst v63  }
0x67: {  	_ =	swait.ge [sflag:s12], $0x800  }
0x68: {  	[sflag:s12] =	ssyncset.done $0x0  }
0x69: {  	s29 =	rddreg [dreg:$0xa];
	[sflag:s12] =	ssyncadd.s32 $0xFFFFF800  }
0x6a: {  	[spmem:s29] =	stream.linear.scatter [tilespmem:s11], [sflag:$0x4], $0x2000, $0x38;
	[tilespmem:$0x1DB00] =	vst v63  }
0x6b: {  	_ =	swait.ge [sflag:s12], $0x2000  }
0x6c: {  	[sflag:s12] =	ssyncset.done $0x0  }
0x6d: {  	s30 =	rddreg [dreg:$0xb];
	[sflag:s12] =	ssyncadd.s32 $0xFFFFE000  }
0x6e: {  	[spmem:s30] =	stream.linear.scatter [tilespmem:s13], [sflag:$0x4], $0x800, $0x38;
	[tilespmem:$0x1DB00] =	vst v63  }
0x6f: {  	_ =	swait.ge [sflag:s12], $0x800  }
0x70: {  	[sflag:s12] =	ssyncset.done $0x0  }
0x71: {  	s2 =	rddreg [dreg:$0xc];
	[sflag:s12] =	ssyncadd.s32 $0xFFFFF800  }
0x72: {  	[spmem:s2] =	stream.linear.scatter [tilespmem:s13], [sflag:$0x4], $0x800, $0x38;
	[tilespmem:$0x1DB00] =	vst v63  }
0x73: {  	_ =	swait.ge [sflag:s12], $0x800  }
0x74: {  	[sflag:s12] =	ssyncset.done $0x0  }
0x75: {  	s20 =	rddreg [dreg:$0xd];
	[sflag:s12] =	ssyncadd.s32 $0xFFFFF800  }
0x76: {  	[spmem:s20] =	stream.linear.scatter [tilespmem:s11], [sflag:$0x4], $0x2000, $0x38;
	[tilespmem:$0x1DB00] =	vst v63  }
0x77: {  	_ =	swait.ge [sflag:s12], $0x2000  }
0x78: {  	[sflag:s12] =	ssyncset.done $0x0  }
0x79: {  	s23 =	rddreg [dreg:$0xe];
	[sflag:s12] =	ssyncadd.s32 $0xFFFFE000  }
0x7a: {  	[spmem:s23] =	stream.linear.scatter [tilespmem:s13], [sflag:$0x4], $0x800, $0x38;
	[tilespmem:$0x1DB00] =	vst v63  }
0x7b: {  	_ =	swait.ge [sflag:s12], $0x800  }
0x7c: {  	[sflag:s12] =	ssyncset.done $0x0  }
0x7d: {  	s24 =	rddreg [dreg:$0xf];
	[sflag:s12] =	ssyncadd.s32 $0xFFFFF800  }
0x7e: {  	[spmem:s24] =	stream.linear.scatter [tilespmem:s13], [sflag:$0x4], $0x800, $0x38;
	[tilespmem:$0x1DB00] =	vst v63  }
0x7f: {  	_ =	swait.ge [sflag:s12], $0x800  }
0x80: {  	[sflag:s12] =	ssyncset.done $0x0  }
0x81: {  	s25 =	rddreg [dreg:$0x10];
	[sflag:s12] =	ssyncadd.s32 $0xFFFFF800  }
0x82: {  	[spmem:s25] =	stream.linear.scatter [tilespmem:s11], [sflag:$0x4], $0x1E00, $0x38;
	[tilespmem:$0x1DB00] =	vst v63  }
0x83: {  	_ =	swait.ge [sflag:s12], $0x1E00  }
0x84: {  	[sflag:s12] =	ssyncset.done $0x0  }
0x85: {  	s26 =	rddreg [dreg:$0x11];
	[sflag:s12] =	ssyncadd.s32 $0xFFFFE200  }
0x86: {  	[spmem:s26] =	stream.linear.scatter [tilespmem:s13], [sflag:$0x4], $0x780, $0x38;
	[tilespmem:$0x1DB00] =	vst v63  }
0x87: {  	_ =	swait.ge [sflag:s12], $0x780  }
0x88: {  	[sflag:s12] =	ssyncset.done $0x0  }
0x89: {  	s29 =	rddreg [dreg:$0x12];
	[sflag:s12] =	ssyncadd.s32 $0xFFFFF880  }
0x8a: {  	[spmem:s29] =	stream.linear.scatter [tilespmem:s13], [sflag:$0x4], $0x780, $0x38;
	[tilespmem:$0x1DB00] =	vst v63  }
0x8b: {  	_ =	swait.ge [sflag:s12], $0x780  }
0x8c: {  	[sflag:s12] =	ssyncset.done $0x0  }
0x8d: {  	[sflag:s12] =	ssyncadd.s32 $0xFFFFF880  }
0x8e: {  	[bflag:$0x0] =	sbarrier.arrive $0xFFFF  }
0x8f: {  	s1 =	simm.s32 @p0 $0x0;
	s24 =	simm.s32 @p0 $0x4;
	s2 =	rddreg [dreg:$0x14]  }
0x90: {  	[tilespmem:s1], [sflag:$0x4] =	stream.linear.gather @p0 [hbm4b:s2+s1], $0x4100, $0x38;
	[tilespmem:$0x1DB00] =	vst v63  }
0x91: {  	_ =	swait.ge @p0 [sflag:s24], $0x4100  }
0x92: {  	[sflag:s24] =	ssyncset.done @p0 $0x0  }
0x93: {  	s25 =	simm.s32 @p0 $0x4F00;
	s2 =	rddreg [dreg:$0x15];
	[sflag:s24] =	ssyncadd.s32 @p0 $0xFFFFBF00  }
0x94: {  	[tilespmem:s25], [sflag:$0x4] =	stream.linear.gather @p0 [hbm4b:s2+s1], $0x4100, $0x38;
	[tilespmem:$0x1DB00] =	vst v63  }
0x95: {  	_ =	swait.ge @p0 [sflag:s24], $0x4100  }
0x96: {  	s1 =	simm.s32 @!p0 $0x0;
	[sflag:s24] =	ssyncset.done @p0 $0x0  }
0x97: {  	s25 =	simm.s32 @!p0 $0x4;
	s2 =	rddreg [dreg:$0x13];
	[sflag:s24] =	ssyncadd.s32 @p0 $0xFFFFBF00  }
0x98: {  	[tilespmem:s1], [sflag:$0x4] =	stream.linear.gather @!p0 [hbm4b:s2+s1], $0x4F00, $0x38;
	[tilespmem:$0x1DB00] =	vst v63  }
0x99: {  	_ =	swait.ge @!p0 [sflag:s25], $0x4F00  }
0x9a: {  	p2 =	sne.s32 s10, $0x40;
	[sflag:s25] =	ssyncset.done @!p0 $0x0  }
0x9b: {  	s24 =	simm.s32 @!p0 $0x4F00;
	s2 =	rddreg [dreg:$0x1b];
	[sflag:s25] =	ssyncadd.s32 @!p0 $0xFFFFB100  }
0x9c: {  	[tilespmem:s24], [sflag:$0x4] =	stream.linear.gather @!p0 [hbm4b:s2+s1], $0x4F00, $0x38;
	[tilespmem:$0x1DB00] =	vst v63  }
.Ltmp4:
0x9d: {  	s24 =	simm.s32 $0x0;
	(pc) =	sbr.rel @!p2 .LBB2_5-.Ltmp4, $4  }
0x9e: {  	_ =	swait.ge @!p0 [sflag:s25], $0x4F00;
	s30 =	sand.u32 $0xFFFFFE00, s24  }
0x9f: {  	s28 =	sand.u32 $0x70, s24;
	[sflag:s25] =	ssyncset.done @!p0 $0x0;
	s1 =	sshra.s32 s30, $0x2  }
0xa0: {  	[sflag:s25] =	ssyncadd.s32 @!p0 $0xFFFFB100;
	s1 =	sor.u32 s28, s1  }
0xa1: {  	s25 =	simm.s32 $0x40;
	s28 =	simm.s32 $0x0;
	v3 =	vld [tilespmem:s1+$0x0]  }
.LBB2_4:
0xa2: {  	_ = 	snop  }
0xa3: {  	s29 =	sand.u32 $0xFFFFFE00, s25;
	s25 =	sadd.s32 $0x40, s25  }
0xa4: {  	p2 =	sne.s32 s10, s25  }
.Ltmp5:
0xa5: {  	_ = 	snop;
	(pc) =	sbr.rel @p2 .LBB2_4-.Ltmp5, $4  }
0xa6: {  	s28 =	sadd.s32 $0x10, s28;
	v3 =	vshll.u32 v3, $0x1  }
0xa7: {  	s30 =	sand.u32 $0x70, s28;
	s29 =	sshra.s32 s29, $0x2;
	v3 =	vor.u32 v0, v3  }
0xa8: {  	[tilespmem:s1+$0x0] =	vst v3;
	s1 =	sor.u32 s30, s29  }
0xa9: {  	v3 =	vld [tilespmem:s1+$0x0]  }
.LBB2_5:
0xaa: {  	_ =	sdelay $0x2  }
.Ltmp6:
0xab: {  	_ = 	snop;
	(pc) =	sbr.rel .LBB2_6-.Ltmp6, $4  }
0xac: {  	v3 =	vshll.u32 v3, $0x1  }
0xad: {  	s25 =	simm.s32 $0x1;
	v3 =	vor.u32 v0, v3  }
0xae: {  	s28 =	simm.s32 $0x0;
	s29 =	simm.s32 $0x0;
	[tilespmem:s1+$0x0] =	vst v3;
	s1 =	rddreg [dreg:$0x1a]  }
0xaf: {  	[tilespmem:s11], [sflag:$0x1] =	stream.indirect.gather [hbm4b:s0+s14], $0x40, s24, s14, $0xb8;
	[tilespmem:$0x1DB00] =	vst v63  }
.LBB2_8:
0xb0: {  	p2 =	seq.s32 s31, s28  }
.Ltmp7:
0xb1: {  	_ = 	snop;
	(pc) =	sbr.rel @p2 .LBB2_10-.Ltmp7, $1  }
0xb2: {  	_ =	sdelay $0x3  }
.LBB2_9:
0xb3: {  	s28 =	sadd.s32 $0x1, s28  }
0xb4: {  	s24 =	sadd.s32 $0x400, s24;
	s25 =	sadd.s32 $0x2, s25;
	s1 =	sadd.s32 $0x200, s1  }
.LBB2_6:
0xb5: {  	s30 =	sshra.s32 s24, $0x2  }
0xb6: {  	p2 =	sgt.u32 s28, $0x27;
	s23 =	sadd.s32 $0x80, s30  }
0xb7: {  	[tilespmem:s15], [sflag:$0x2] =	stream.indirect.gather [hbm4b:s0+s14], $0x40, s23, s14, $0xb8;
	[tilespmem:$0x1DB00] =	vst v63  }
0xb8: {  	s2 =	simm.s32 $0x1;
	s26 =	simm.s32 $0x1;
	_ =	swait.ge [sflag:s16], $0x2000  }
0xb9: {  	s2 =	simm.s32 @!p2 $0x0;
	s26 =	simm.s32 @!p1 $0x0;
	[sflag:s16] =	ssyncset.done $0x0  }
0xba: {  	s23 =	sadd.s32 $0x4F00, s30;
	p2 =	seq.s32 s26, s2;
	[sflag:s16] =	ssyncadd.s32 $0xFFFFE000  }
0xbb: {  	[spmem:s3] =	stream.indirect.scatter.add.f32 [tilespmem:s11], [sflag:$0x4], $0x40, s23, s14, $0xb8;
	[tilespmem:$0x1DB00] =	vst v63  }
0xbc: {  	p3 =	seq.s32 @!p2 s29, $0x0;
	_ =	swait.ge [sflag:s12], $0x2000  }
0xbd: {  	p3 =	por p3, p2;
	[sflag:s12] =	ssyncset.done $0x0  }
0xbe: {  	s2 =	simm.s32 @!p3 $0x3;
	[sflag:s12] =	ssyncadd.s32 $0xFFFFE000  }
0xbf: {  	_ =	swait.ge @!p3 [sflag:s2], $0x800  }
0xc0: {  	[sflag:s2] =	ssyncset.done @!p3 $0x0  }
0xc1: {  	[sflag:s2] =	ssyncadd.s32 @!p3 $0xFFFFF800  }
0xc2: {  	_ =	swait.ge @!p3 [sflag:s2], $0x800  }
0xc3: {  	s26 =	simm.s32 @!p2 $0x0;
	[sflag:s2] =	ssyncset.done @!p3 $0x0  }
0xc4: {  	s20 =	simm.s32 @!p2 $0xDE00;
	[sflag:s2] =	ssyncadd.s32 @!p3 $0xFFFFF800;
	s2 =	sadd.s32 @!p2 $0xFFFFFF00, s1  }
0xc5: {  	[tilespmem:s20], [sflag:$0x4] =	stream.linear.gather @!p2 [hbm4b:s2+s26], $0x800, $0x38;
	[tilespmem:$0x1DB00] =	vst v63  }
0xc6: {  	s2 =	simm.s32 @!p2 $0x4  }
0xc7: {  	_ =	swait.ge @!p2 [sflag:s2], $0x800  }
0xc8: {  	[sflag:s2] =	ssyncset.done @!p2 $0x0  }
0xc9: {  	s26 =	sadd.s32 $0x1, s25;
	[sflag:s2] =	ssyncadd.s32 @!p2 $0xFFFFF800;
	s2 =	simm.s32 @!p2 $0x80  }
0xca: {  	[spmem:s4] =	stream.indirect.scatter.add.f32 @!p2 [tilespmem:s20], [sflag:$0x3], $0x10, s23, s2, $0xb8;
	[tilespmem:$0x1DB00] =	vst v63  }
0xcb: {  	p3 =	sge.u32 s26, s21;
	s20 =	simm.s32 @!p2 $0xE600  }
0xcc: {  	[spmem:s5] =	stream.indirect.scatter.add.f32 @!p2 [tilespmem:s20], [sflag:$0x3], $0x10, s23, s2, $0xb8;
	[tilespmem:$0x1DB00] =	vst v63  }
0xcd: {  	s2 =	sshra.s32 @!p3 s24, $0x2  }
0xce: {  	s20 =	simm.s32 @!p3 $0x80;
	s23 =	simm.s32 @!p3 $0x9E00;
	s2 =	sadd.s32 @!p3 $0x100, s2  }
0xcf: {  	[tilespmem:s23], [sflag:$0x1] =	stream.indirect.gather @!p3 [hbm4b:s0+s20], $0x40, s2, s20, $0xb8;
	[tilespmem:$0x1DB00] =	vst v63  }
0xd0: {  	p4 =	sgt.u32 s28, $0x26;
	p3 =	slt.u32 s25, $0x4F;
	_ =	swait.ge [sflag:s17], $0x2000  }
0xd1: {  	p3 =	por @!p1 p4, p4;
	[sflag:s17] =	ssyncset.done $0x0  }
.Ltmp8:
0xd2: {  	s30 =	sadd.s32 $0x4F80, s30;
	[sflag:s17] =	ssyncadd.s32 $0xFFFFE000;
	(pc) =	sbr.rel @!p3 .LBB2_8-.Ltmp8, $4  }
0xd3: {  	[spmem:s3] =	stream.indirect.scatter.add.f32 [tilespmem:s15], [sflag:$0x4], $0x40, s30, s14, $0xb8;
	[tilespmem:$0x1DB00] =	vst v63  }
0xd4: {  	_ =	swait.ge [sflag:s12], $0x2000  }
0xd5: {  	[sflag:s12] =	ssyncset.done $0x0  }
0xd6: {  	s29 =	simm.s32 @!p2 $0x1;
	[sflag:s12] =	ssyncadd.s32 $0xFFFFE000  }
0xd7: {  	p2 =	slt.s32 s29, $0x1  }
0xd8: {  	s2 =	simm.s32 @!p2 $0x3  }
0xd9: {  	_ =	swait.ge @!p2 [sflag:s2], $0x800  }
0xda: {  	[sflag:s2] =	ssyncset.done @!p2 $0x0  }
0xdb: {  	[sflag:s2] =	ssyncadd.s32 @!p2 $0xFFFFF800  }
0xdc: {  	_ =	swait.ge @!p2 [sflag:s2], $0x800  }
0xdd: {  	[sflag:s2] =	ssyncset.done @!p2 $0x0  }
0xde: {  	[sflag:s2] =	ssyncadd.s32 @!p2 $0xFFFFF800  }
0xdf: {  	[tilespmem:s13], [sflag:$0x4] =	stream.linear.gather [hbm4b:s1+s6], $0x800, $0x38;
	[tilespmem:$0x1DB00] =	vst v63  }
0xe0: {  	p2 =	seq.s32 s31, s28;
	_ =	swait.ge [sflag:s12], $0x800  }
.Ltmp9:
0xe1: {  	[sflag:s12] =	ssyncset.done $0x0;
	(pc) =	sbr.rel @!p2 .LBB2_9-.Ltmp9, $4  }
.Ltmp10:
0xe2: {  	[sflag:s12] =	ssyncadd.s32 $0xFFFFF800;
	(pc) =	sbr.rel @p2 .LBB2_11-.Ltmp10, $4  }
0xe3: {  	[spmem:s4] =	stream.indirect.scatter.add.f32 [tilespmem:s13], [sflag:$0x3], $0x10, s30, s14, $0xb8;
	[tilespmem:$0x1DB00] =	vst v63  }
0xe4: {  	s29 =	simm.s32 $0x1  }
0xe5: {  	[spmem:s5] =	stream.indirect.scatter.add.f32 [tilespmem:s18], [sflag:$0x3], $0x10, s30, s14, $0xb8;
	[tilespmem:$0x1DB00] =	vst v63  }
0xe6: {  	_ = 	snop  }
.LBB2_13:
0xe7: {  	_ =	sfence.sel $0x180000  }
0xe8: {  	[bflag:$0x0] =	sbarrier.arrive $0xFFFF  }
0xe9: {  	_ =	strace $0x90000047  }
0xea: {  	s0 =	stileid.u32;
	[bflag:$0x2] =	sbarrier.arrive $0xFFFF  }
0xeb: {  	p0 =	sne.s32 s0, $0x0;
	s0 =	rddreg [dreg:$0x6]  }
0xec: {  	s0 =	sadd.s32 @!p0 $0x100000, s0  }
0xed: {  	[sflag:s0] =	ssyncadd.tile.s32 @!p0 $0x1;
	_ =	shalt  }
.Lfunc_end2:
_tile_overlayer_lowered:
.L_overlay_start_2:
0xee: {  	(tag) =	ssettag $0x2  }
0xef: {  	s0 =	rddreg [dreg:$0x0];
	s2 =	stileid.u32  }
0xf0: {  	s1 =	rddreg [dreg:$0x1];
	p0 =	sne.s32 s2, $0x0  }
0xf1: {  	s3 =	rddreg [dreg:$0x2];
	[bflag:$0x3] =	sbarrier.arrive $0xFFFF;
	s2 =	simm.s32 @!p0 $0x1C04  }
0xf2: {  	[timem:s3], [sflag:s2] =	dma.local @!p0 [hbm:s0], s1  }
0xf3: {  	s0 =	simm.s32 @!p0 $0x4  }
0xf4: {  	_ =	swait.ge @!p0 [sflag:s0], s1  }
0xf5: {  	s1 =	ssub.s32 @!p0 $0x0, s1;
	[sflag:s0] =	ssyncset.done @!p0 $0x0  }
0xf6: {  	[sflag:s0] =	ssyncadd.s32 @!p0 s1  }
0xf7: {  	[bflag:$0x3] =	sbarrier.arrive $0xFFFF  }
0xf8: {  	_ =	shalt  }

</sc_bundles>
